<compile_context>
chip_gen: v7x
topology: tpu7x:2x2x1
jax: 0.10.2.dev20260603
libtpu: 0.0.44.dev20260713+nightly
codegen_flags: <defaults>
</compile_context>

<pallas_src>
import itertools as it

import jax
import jax.numpy as jnp
from jax import lax
from jax.experimental import pallas as pl
from jax.experimental.pallas import tpu as pltpu
from jax.experimental.pallas import tpu_sc as plsc

DIM = 4
ROWS = 819200
ROW = 17
N = ROWS * ROW
NW = 32
ROWS_PER_W = ROWS // NW
PIECE_ROWS = 1600
PIECE = PIECE_ROWS * ROW
PIECES = ROWS_PER_W // PIECE_ROWS
PERIOD = 272
UNROLL = 2


def _perm_idx():
    permutations = jnp.array(list(it.permutations(range(DIM))), dtype=jnp.int32)
    num_perms, num_ue = permutations.shape
    key = jax.random.key(42)
    _p = jax.random.randint(key, (1,), 0, num_perms, dtype=jnp.int32)
    perm = permutations[_p[0], :]
    t = jnp.tile(perm, num_ue)
    r = jnp.repeat(perm, num_ue, axis=0)
    idx = num_ue * r + t
    return jnp.concatenate((idx, jnp.array([num_ue ** 2], dtype=jnp.int32)))


def _permute_sc(x_flat, src0):
    mesh = plsc.VectorSubcoreMesh(core_axis_name="c", subcore_axis_name="s")

    @pl.kernel(
        out_type=jax.ShapeDtypeStruct((N,), jnp.float32),
        mesh=mesh,
        compiler_params=pltpu.CompilerParams(
            needs_layout_passes=False, use_tc_tiling_on_sc=True),
        scratch_types=[
            pltpu.VMEM((PIECE,), jnp.float32),
            pltpu.VMEM((PIECE,), jnp.float32),
            pltpu.VMEM((PIECE,), jnp.float32),
            pltpu.VMEM((PIECE,), jnp.float32),
            pltpu.VMEM((PERIOD,), jnp.int32),
            pltpu.SemaphoreType.DMA,
            pltpu.SemaphoreType.DMA,
            pltpu.SemaphoreType.DMA,
            pltpu.SemaphoreType.DMA,
        ],
    )
    def body(x_hbm, src_hbm, out_hbm, in0, in1, o0, o1, idx_v,
             isem0, isem1, osem0, osem1):
        wid = lax.axis_index("s") * 2 + lax.axis_index("c")
        woff = wid * (ROWS_PER_W * ROW)
        pltpu.sync_copy(src_hbm, idx_v)
        pats = [idx_v[pl.ds(j * 16, 16)] for j in range(ROW)]
        ins, outs = (in0, in1), (o0, o1)
        isems, osems = (isem0, isem1), (osem0, osem1)

        def in_copy(p):
            b = p % 2
            return pltpu.make_async_copy(
                x_hbm.at[pl.ds(woff + p * PIECE, PIECE)], ins[b], isems[b])

        def out_copy(p):
            b = p % 2
            return pltpu.make_async_copy(
                outs[b], out_hbm.at[pl.ds(woff + p * PIECE, PIECE)], osems[b])

        in_copy(0).start()
        for p in range(PIECES):
            b = p % 2
            in_copy(p).wait()
            if p + 1 < PIECES:
                in_copy(p + 1).start()
            if p >= 2:
                out_copy(p - 2).wait()
            in_b, out_b = ins[b], outs[b]

            @plsc.parallel_loop(0, PIECE, PERIOD, unroll=UNROLL)
            def blk(base):
                view = in_b.at[pl.ds(base, PERIOD)]
                for j in range(ROW):
                    out_b[pl.ds(base + j * 16, 16)] = plsc.load_gather(
                        view, [pats[j]])

            out_copy(p).start()
        out_copy(PIECES - 2).wait()
        out_copy(PIECES - 1).wait()

    return body(x_flat, src0)


NQ = 2


def _permute_tc(xv, idx_eff):
    def body(idx_ref, x_ref, o_ref, *sems):
        for j in range(ROW):
            pj = idx_ref[j]
            pltpu.make_async_copy(
                x_ref.at[pj], o_ref.at[j], sems[j]).start(priority=j % NQ)
        for j in range(ROW):
            pltpu.make_async_copy(
                x_ref.at[idx_ref[j]], o_ref.at[j], sems[j]).wait()

    return pl.pallas_call(
        body,
        in_specs=[
            pl.BlockSpec(memory_space=pltpu.SMEM),
            pl.BlockSpec(memory_space=pl.ANY),
        ],
        out_specs=pl.BlockSpec(memory_space=pl.ANY),
        out_shape=jax.ShapeDtypeStruct(xv.shape, jnp.float32),
        scratch_shapes=[pltpu.SemaphoreType.DMA for _ in range(ROW)],
    )(idx_eff, xv)


def kernel(x, training):
    perm_idx = _perm_idx()
    idx_eff = jnp.where(training != 0, perm_idx,
                        jnp.arange(ROW, dtype=jnp.int32))
    xv = jnp.transpose(x, (2, 0, 1)).reshape(ROW, 6400, 128)
    ov = _permute_tc(xv, idx_eff)
    return jnp.transpose(ov.reshape(ROW, 4096, 200), (1, 2, 0))

# --- scband reference (transcript-rebuilt; emitter-appended) ---
"""Pipeline reference for scband-index-permutation-layer-26654567039438 (READ-ONLY COPY).

The authoritative reference and input builder live on the scoring server;
editing this copy changes nothing except your own understanding.
"""

import jax, jax.numpy as jnp
import numpy as np
import itertools as it

DIM = 4


def setup_inputs(seed: int = 0) -> dict:
    key = jax.random.key(seed)
    x = jax.random.normal(key, (4096, 200, 17), dtype=jnp.float32)
    return {"x": x, "training": 1}


def reference(x, training):
    # permutations = list(it.permutations(range(DIM)))  (default arg)
    permutations = jnp.array(list(it.permutations(range(DIM))), dtype=jnp.int32)
    num_perms, num_ue = permutations.shape  # (24, 4)

    # permute_users branch (train phase)
    key = jax.random.key(42)
    _perm = jax.random.randint(key, (1,), 0, num_perms, dtype=jnp.int32)
    perm = permutations[_perm[0], :]                      # int32[num_ue]
    t = jnp.tile(perm, num_ue)                            # K.tile(perm, num_ue) -> [num_ue^2]
    r = jnp.repeat(perm, num_ue, axis=0)                  # K.repeat_elements(perm, num_ue, 0)
    perm_idx = num_ue * r + t                             # int32[num_ue^2]
    perm_idx = jnp.concatenate(
        (perm_idx, jnp.array([num_ue ** 2], dtype=jnp.int32))
    )                                                     # int32[num_ue^2 + 1] = [17]
    P = jnp.take(x, perm_idx, axis=-1)                    # tf.gather(x, perm_idx, axis=-1)
    # K.in_train_phase falls back to identity at inference
    return jnp.where(training != 0, P, x)

if __name__ == "__main__":
    import jax
    _d = setup_inputs()
    print(jax.jit(kernel)(*tuple(_d.values())))

</pallas_src>

<mosaic_0001>
module attributes {stable_mosaic.version = 14 : i64} {
  func.func @body(%arg0: memref<17xi32, #tpu.memory_space<smem>>, %arg1: memref<17x6400x128xf32, #tpu.memory_space<any>>, %arg2: memref<17x6400x128xf32, #tpu.memory_space<any>>, %arg3: memref<!tpu.dma_semaphore, #tpu.memory_space<semaphore_mem>>, %arg4: memref<!tpu.dma_semaphore, #tpu.memory_space<semaphore_mem>>, %arg5: memref<!tpu.dma_semaphore, #tpu.memory_space<semaphore_mem>>, %arg6: memref<!tpu.dma_semaphore, #tpu.memory_space<semaphore_mem>>, %arg7: memref<!tpu.dma_semaphore, #tpu.memory_space<semaphore_mem>>, %arg8: memref<!tpu.dma_semaphore, #tpu.memory_space<semaphore_mem>>, %arg9: memref<!tpu.dma_semaphore, #tpu.memory_space<semaphore_mem>>, %arg10: memref<!tpu.dma_semaphore, #tpu.memory_space<semaphore_mem>>, %arg11: memref<!tpu.dma_semaphore, #tpu.memory_space<semaphore_mem>>, %arg12: memref<!tpu.dma_semaphore, #tpu.memory_space<semaphore_mem>>, %arg13: memref<!tpu.dma_semaphore, #tpu.memory_space<semaphore_mem>>, %arg14: memref<!tpu.dma_semaphore, #tpu.memory_space<semaphore_mem>>, %arg15: memref<!tpu.dma_semaphore, #tpu.memory_space<semaphore_mem>>, %arg16: memref<!tpu.dma_semaphore, #tpu.memory_space<semaphore_mem>>, %arg17: memref<!tpu.dma_semaphore, #tpu.memory_space<semaphore_mem>>, %arg18: memref<!tpu.dma_semaphore, #tpu.memory_space<semaphore_mem>>, %arg19: memref<!tpu.dma_semaphore, #tpu.memory_space<semaphore_mem>>) attributes {dimension_semantics = [], scalar_prefetch = 0 : i64, scratch_operands = 17 : i64, tpu.core_type = #tpu.core_type<tc>} {
    %get3A = arith.constant 0 : index
    %get3A_0 = memref.load %arg0[%get3A] : memref<17xi32, #tpu.memory_space<smem>>
    %dma_start3A = arith.constant 0 : i32
    %dma_start3A_1 = arith.constant 0 : i32
    %dma_start3A_2 = arith.constant 0 : i32
    %dma_start3A_3 = tpu.memref_slice %arg2[%dma_start3A, %dma_start3A_1, %dma_start3A_2] : memref<17x6400x128xf32, #tpu.memory_space<any>> -> memref<1x6400x128xf32, #tpu.memory_space<any>>
    %dma_start3A_4 = tpu.memref_squeeze %dma_start3A_3 : memref<1x6400x128xf32, #tpu.memory_space<any>> -> memref<6400x128xf32, #tpu.memory_space<any>>
    %dma_start3A_5 = arith.constant 0 : i32
    %dma_start3A_6 = arith.constant 0 : i32
    %dma_start3A_7 = tpu.memref_slice %arg1[%get3A_0, %dma_start3A_5, %dma_start3A_6] : memref<17x6400x128xf32, #tpu.memory_space<any>> -> memref<1x6400x128xf32, #tpu.memory_space<any>>
    %dma_start3A_8 = tpu.memref_squeeze %dma_start3A_7 : memref<1x6400x128xf32, #tpu.memory_space<any>> -> memref<6400x128xf32, #tpu.memory_space<any>>
    tpu.enqueue_dma source(%dma_start3A_8 : memref<6400x128xf32, #tpu.memory_space<any>>) target(%dma_start3A_4 : memref<6400x128xf32, #tpu.memory_space<any>>) target_semaphore(%arg3 : memref<!tpu.dma_semaphore, #tpu.memory_space<semaphore_mem>>)
    %get3A_9 = arith.constant 1 : index
    %get3A_10 = memref.load %arg0[%get3A_9] : memref<17xi32, #tpu.memory_space<smem>>
    %dma_start3A_11 = arith.constant 1 : i32
    %dma_start3A_12 = arith.constant 0 : i32
    %dma_start3A_13 = arith.constant 0 : i32
    %dma_start3A_14 = tpu.memref_slice %arg2[%dma_start3A_11, %dma_start3A_12, %dma_start3A_13] : memref<17x6400x128xf32, #tpu.memory_space<any>> -> memref<1x6400x128xf32, #tpu.memory_space<any>>
    %dma_start3A_15 = tpu.memref_squeeze %dma_start3A_14 : memref<1x6400x128xf32, #tpu.memory_space<any>> -> memref<6400x128xf32, #tpu.memory_space<any>>
    %dma_start3A_16 = arith.constant 0 : i32
    %dma_start3A_17 = arith.constant 0 : i32
    %dma_start3A_18 = tpu.memref_slice %arg1[%get3A_10, %dma_start3A_16, %dma_start3A_17] : memref<17x6400x128xf32, #tpu.memory_space<any>> -> memref<1x6400x128xf32, #tpu.memory_space<any>>
    %dma_start3A_19 = tpu.memref_squeeze %dma_start3A_18 : memref<1x6400x128xf32, #tpu.memory_space<any>> -> memref<6400x128xf32, #tpu.memory_space<any>>
    tpu.enqueue_dma source(%dma_start3A_19 : memref<6400x128xf32, #tpu.memory_space<any>>) target(%dma_start3A_15 : memref<6400x128xf32, #tpu.memory_space<any>>) target_semaphore(%arg4 : memref<!tpu.dma_semaphore, #tpu.memory_space<semaphore_mem>>) {priority = 1 : i32}
    %get3A_20 = arith.constant 2 : index
    %get3A_21 = memref.load %arg0[%get3A_20] : memref<17xi32, #tpu.memory_space<smem>>
    %dma_start3A_22 = arith.constant 2 : i32
    %dma_start3A_23 = arith.constant 0 : i32
    %dma_start3A_24 = arith.constant 0 : i32
    %dma_start3A_25 = tpu.memref_slice %arg2[%dma_start3A_22, %dma_start3A_23, %dma_start3A_24] : memref<17x6400x128xf32, #tpu.memory_space<any>> -> memref<1x6400x128xf32, #tpu.memory_space<any>>
    %dma_start3A_26 = tpu.memref_squeeze %dma_start3A_25 : memref<1x6400x128xf32, #tpu.memory_space<any>> -> memref<6400x128xf32, #tpu.memory_space<any>>
    %dma_start3A_27 = arith.constant 0 : i32
    %dma_start3A_28 = arith.constant 0 : i32
    %dma_start3A_29 = tpu.memref_slice %arg1[%get3A_21, %dma_start3A_27, %dma_start3A_28] : memref<17x6400x128xf32, #tpu.memory_space<any>> -> memref<1x6400x128xf32, #tpu.memory_space<any>>
    %dma_start3A_30 = tpu.memref_squeeze %dma_start3A_29 : memref<1x6400x128xf32, #tpu.memory_space<any>> -> memref<6400x128xf32, #tpu.memory_space<any>>
    tpu.enqueue_dma source(%dma_start3A_30 : memref<6400x128xf32, #tpu.memory_space<any>>) target(%dma_start3A_26 : memref<6400x128xf32, #tpu.memory_space<any>>) target_semaphore(%arg5 : memref<!tpu.dma_semaphore, #tpu.memory_space<semaphore_mem>>)
    %get3A_31 = arith.constant 3 : index
    %get3A_32 = memref.load %arg0[%get3A_31] : memref<17xi32, #tpu.memory_space<smem>>
    %dma_start3A_33 = arith.constant 3 : i32
    %dma_start3A_34 = arith.constant 0 : i32
    %dma_start3A_35 = arith.constant 0 : i32
    %dma_start3A_36 = tpu.memref_slice %arg2[%dma_start3A_33, %dma_start3A_34, %dma_start3A_35] : memref<17x6400x128xf32, #tpu.memory_space<any>> -> memref<1x6400x128xf32, #tpu.memory_space<any>>
    %dma_start3A_37 = tpu.memref_squeeze %dma_start3A_36 : memref<1x6400x128xf32, #tpu.memory_space<any>> -> memref<6400x128xf32, #tpu.memory_space<any>>
    %dma_start3A_38 = arith.constant 0 : i32
    %dma_start3A_39 = arith.constant 0 : i32
    %dma_start3A_40 = tpu.memref_slice %arg1[%get3A_32, %dma_start3A_38, %dma_start3A_39] : memref<17x6400x128xf32, #tpu.memory_space<any>> -> memref<1x6400x128xf32, #tpu.memory_space<any>>
    %dma_start3A_41 = tpu.memref_squeeze %dma_start3A_40 : memref<1x6400x128xf32, #tpu.memory_space<any>> -> memref<6400x128xf32, #tpu.memory_space<any>>
    tpu.enqueue_dma source(%dma_start3A_41 : memref<6400x128xf32, #tpu.memory_space<any>>) target(%dma_start3A_37 : memref<6400x128xf32, #tpu.memory_space<any>>) target_semaphore(%arg6 : memref<!tpu.dma_semaphore, #tpu.memory_space<semaphore_mem>>) {priority = 1 : i32}
    %get3A_42 = arith.constant 4 : index
    %get3A_43 = memref.load %arg0[%get3A_42] : memref<17xi32, #tpu.memory_space<smem>>
    %dma_start3A_44 = arith.constant 4 : i32
    %dma_start3A_45 = arith.constant 0 : i32
    %dma_start3A_46 = arith.constant 0 : i32
    %dma_start3A_47 = tpu.memref_slice %arg2[%dma_start3A_44, %dma_start3A_45, %dma_start3A_46] : memref<17x6400x128xf32, #tpu.memory_space<any>> -> memref<1x6400x128xf32, #tpu.memory_space<any>>
    %dma_start3A_48 = tpu.memref_squeeze %dma_start3A_47 : memref<1x6400x128xf32, #tpu.memory_space<any>> -> memref<6400x128xf32, #tpu.memory_space<any>>
    %dma_start3A_49 = arith.constant 0 : i32
    %dma_start3A_50 = arith.constant 0 : i32
    %dma_start3A_51 = tpu.memref_slice %arg1[%get3A_43, %dma_start3A_49, %dma_start3A_50] : memref<17x6400x128xf32, #tpu.memory_space<any>> -> memref<1x6400x128xf32, #tpu.memory_space<any>>
    %dma_start3A_52 = tpu.memref_squeeze %dma_start3A_51 : memref<1x6400x128xf32, #tpu.memory_space<any>> -> memref<6400x128xf32, #tpu.memory_space<any>>
    tpu.enqueue_dma source(%dma_start3A_52 : memref<6400x128xf32, #tpu.memory_space<any>>) target(%dma_start3A_48 : memref<6400x128xf32, #tpu.memory_space<any>>) target_semaphore(%arg7 : memref<!tpu.dma_semaphore, #tpu.memory_space<semaphore_mem>>)
    %get3A_53 = arith.constant 5 : index
    %get3A_54 = memref.load %arg0[%get3A_53] : memref<17xi32, #tpu.memory_space<smem>>
    %dma_start3A_55 = arith.constant 5 : i32
    %dma_start3A_56 = arith.constant 0 : i32
    %dma_start3A_57 = arith.constant 0 : i32
    %dma_start3A_58 = tpu.memref_slice %arg2[%dma_start3A_55, %dma_start3A_56, %dma_start3A_57] : memref<17x6400x128xf32, #tpu.memory_space<any>> -> memref<1x6400x128xf32, #tpu.memory_space<any>>
    %dma_start3A_59 = tpu.memref_squeeze %dma_start3A_58 : memref<1x6400x128xf32, #tpu.memory_space<any>> -> memref<6400x128xf32, #tpu.memory_space<any>>
    %dma_start3A_60 = arith.constant 0 : i32
    %dma_start3A_61 = arith.constant 0 : i32
    %dma_start3A_62 = tpu.memref_slice %arg1[%get3A_54, %dma_start3A_60, %dma_start3A_61] : memref<17x6400x128xf32, #tpu.memory_space<any>> -> memref<1x6400x128xf32, #tpu.memory_space<any>>
    %dma_start3A_63 = tpu.memref_squeeze %dma_start3A_62 : memref<1x6400x128xf32, #tpu.memory_space<any>> -> memref<6400x128xf32, #tpu.memory_space<any>>
    tpu.enqueue_dma source(%dma_start3A_63 : memref<6400x128xf32, #tpu.memory_space<any>>) target(%dma_start3A_59 : memref<6400x128xf32, #tpu.memory_space<any>>) target_semaphore(%arg8 : memref<!tpu.dma_semaphore, #tpu.memory_space<semaphore_mem>>) {priority = 1 : i32}
    %get3A_64 = arith.constant 6 : index
    %get3A_65 = memref.load %arg0[%get3A_64] : memref<17xi32, #tpu.memory_space<smem>>
    %dma_start3A_66 = arith.constant 6 : i32
    %dma_start3A_67 = arith.constant 0 : i32
    %dma_start3A_68 = arith.constant 0 : i32
    %dma_start3A_69 = tpu.memref_slice %arg2[%dma_start3A_66, %dma_start3A_67, %dma_start3A_68] : memref<17x6400x128xf32, #tpu.memory_space<any>> -> memref<1x6400x128xf32, #tpu.memory_space<any>>
    %dma_start3A_70 = tpu.memref_squeeze %dma_start3A_69 : memref<1x6400x128xf32, #tpu.memory_space<any>> -> memref<6400x128xf32, #tpu.memory_space<any>>
    %dma_start3A_71 = arith.constant 0 : i32
    %dma_start3A_72 = arith.constant 0 : i32
    %dma_start3A_73 = tpu.memref_slice %arg1[%get3A_65, %dma_start3A_71, %dma_start3A_72] : memref<17x6400x128xf32, #tpu.memory_space<any>> -> memref<1x6400x128xf32, #tpu.memory_space<any>>
    %dma_start3A_74 = tpu.memref_squeeze %dma_start3A_73 : memref<1x6400x128xf32, #tpu.memory_space<any>> -> memref<6400x128xf32, #tpu.memory_space<any>>
    tpu.enqueue_dma source(%dma_start3A_74 : memref<6400x128xf32, #tpu.memory_space<any>>) target(%dma_start3A_70 : memref<6400x128xf32, #tpu.memory_space<any>>) target_semaphore(%arg9 : memref<!tpu.dma_semaphore, #tpu.memory_space<semaphore_mem>>)
    %get3A_75 = arith.constant 7 : index
    %get3A_76 = memref.load %arg0[%get3A_75] : memref<17xi32, #tpu.memory_space<smem>>
    %dma_start3A_77 = arith.constant 7 : i32
    %dma_start3A_78 = arith.constant 0 : i32
    %dma_start3A_79 = arith.constant 0 : i32
    %dma_start3A_80 = tpu.memref_slice %arg2[%dma_start3A_77, %dma_start3A_78, %dma_start3A_79] : memref<17x6400x128xf32, #tpu.memory_space<any>> -> memref<1x6400x128xf32, #tpu.memory_space<any>>
    %dma_start3A_81 = tpu.memref_squeeze %dma_start3A_80 : memref<1x6400x128xf32, #tpu.memory_space<any>> -> memref<6400x128xf32, #tpu.memory_space<any>>
    %dma_start3A_82 = arith.constant 0 : i32
    %dma_start3A_83 = arith.constant 0 : i32
    %dma_start3A_84 = tpu.memref_slice %arg1[%get3A_76, %dma_start3A_82, %dma_start3A_83] : memref<17x6400x128xf32, #tpu.memory_space<any>> -> memref<1x6400x128xf32, #tpu.memory_space<any>>
    %dma_start3A_85 = tpu.memref_squeeze %dma_start3A_84 : memref<1x6400x128xf32, #tpu.memory_space<any>> -> memref<6400x128xf32, #tpu.memory_space<any>>
    tpu.enqueue_dma source(%dma_start3A_85 : memref<6400x128xf32, #tpu.memory_space<any>>) target(%dma_start3A_81 : memref<6400x128xf32, #tpu.memory_space<any>>) target_semaphore(%arg10 : memref<!tpu.dma_semaphore, #tpu.memory_space<semaphore_mem>>) {priority = 1 : i32}
    %get3A_86 = arith.constant 8 : index
    %get3A_87 = memref.load %arg0[%get3A_86] : memref<17xi32, #tpu.memory_space<smem>>
    %dma_start3A_88 = arith.constant 8 : i32
    %dma_start3A_89 = arith.constant 0 : i32
    %dma_start3A_90 = arith.constant 0 : i32
    %dma_start3A_91 = tpu.memref_slice %arg2[%dma_start3A_88, %dma_start3A_89, %dma_start3A_90] : memref<17x6400x128xf32, #tpu.memory_space<any>> -> memref<1x6400x128xf32, #tpu.memory_space<any>>
    %dma_start3A_92 = tpu.memref_squeeze %dma_start3A_91 : memref<1x6400x128xf32, #tpu.memory_space<any>> -> memref<6400x128xf32, #tpu.memory_space<any>>
    %dma_start3A_93 = arith.constant 0 : i32
    %dma_start3A_94 = arith.constant 0 : i32
    %dma_start3A_95 = tpu.memref_slice %arg1[%get3A_87, %dma_start3A_93, %dma_start3A_94] : memref<17x6400x128xf32, #tpu.memory_space<any>> -> memref<1x6400x128xf32, #tpu.memory_space<any>>
    %dma_start3A_96 = tpu.memref_squeeze %dma_start3A_95 : memref<1x6400x128xf32, #tpu.memory_space<any>> -> memref<6400x128xf32, #tpu.memory_space<any>>
    tpu.enqueue_dma source(%dma_start3A_96 : memref<6400x128xf32, #tpu.memory_space<any>>) target(%dma_start3A_92 : memref<6400x128xf32, #tpu.memory_space<any>>) target_semaphore(%arg11 : memref<!tpu.dma_semaphore, #tpu.memory_space<semaphore_mem>>)
    %get3A_97 = arith.constant 9 : index
    %get3A_98 = memref.load %arg0[%get3A_97] : memref<17xi32, #tpu.memory_space<smem>>
    %dma_start3A_99 = arith.constant 9 : i32
    %dma_start3A_100 = arith.constant 0 : i32
    %dma_start3A_101 = arith.constant 0 : i32
    %dma_start3A_102 = tpu.memref_slice %arg2[%dma_start3A_99, %dma_start3A_100, %dma_start3A_101] : memref<17x6400x128xf32, #tpu.memory_space<any>> -> memref<1x6400x128xf32, #tpu.memory_space<any>>
    %dma_start3A_103 = tpu.memref_squeeze %dma_start3A_102 : memref<1x6400x128xf32, #tpu.memory_space<any>> -> memref<6400x128xf32, #tpu.memory_space<any>>
    %dma_start3A_104 = arith.constant 0 : i32
    %dma_start3A_105 = arith.constant 0 : i32
    %dma_start3A_106 = tpu.memref_slice %arg1[%get3A_98, %dma_start3A_104, %dma_start3A_105] : memref<17x6400x128xf32, #tpu.memory_space<any>> -> memref<1x6400x128xf32, #tpu.memory_space<any>>
    %dma_start3A_107 = tpu.memref_squeeze %dma_start3A_106 : memref<1x6400x128xf32, #tpu.memory_space<any>> -> memref<6400x128xf32, #tpu.memory_space<any>>
    tpu.enqueue_dma source(%dma_start3A_107 : memref<6400x128xf32, #tpu.memory_space<any>>) target(%dma_start3A_103 : memref<6400x128xf32, #tpu.memory_space<any>>) target_semaphore(%arg12 : memref<!tpu.dma_semaphore, #tpu.memory_space<semaphore_mem>>) {priority = 1 : i32}
    %get3A_108 = arith.constant 10 : index
    %get3A_109 = memref.load %arg0[%get3A_108] : memref<17xi32, #tpu.memory_space<smem>>
    %dma_start3A_110 = arith.constant 10 : i32
    %dma_start3A_111 = arith.constant 0 : i32
    %dma_start3A_112 = arith.constant 0 : i32
    %dma_start3A_113 = tpu.memref_slice %arg2[%dma_start3A_110, %dma_start3A_111, %dma_start3A_112] : memref<17x6400x128xf32, #tpu.memory_space<any>> -> memref<1x6400x128xf32, #tpu.memory_space<any>>
    %dma_start3A_114 = tpu.memref_squeeze %dma_start3A_113 : memref<1x6400x128xf32, #tpu.memory_space<any>> -> memref<6400x128xf32, #tpu.memory_space<any>>
    %dma_start3A_115 = arith.constant 0 : i32
    %dma_start3A_116 = arith.constant 0 : i32
    %dma_start3A_117 = tpu.memref_slice %arg1[%get3A_109, %dma_start3A_115, %dma_start3A_116] : memref<17x6400x128xf32, #tpu.memory_space<any>> -> memref<1x6400x128xf32, #tpu.memory_space<any>>
    %dma_start3A_118 = tpu.memref_squeeze %dma_start3A_117 : memref<1x6400x128xf32, #tpu.memory_space<any>> -> memref<6400x128xf32, #tpu.memory_space<any>>
    tpu.enqueue_dma source(%dma_start3A_118 : memref<6400x128xf32, #tpu.memory_space<any>>) target(%dma_start3A_114 : memref<6400x128xf32, #tpu.memory_space<any>>) target_semaphore(%arg13 : memref<!tpu.dma_semaphore, #tpu.memory_space<semaphore_mem>>)
    %get3A_119 = arith.constant 11 : index
    %get3A_120 = memref.load %arg0[%get3A_119] : memref<17xi32, #tpu.memory_space<smem>>
    %dma_start3A_121 = arith.constant 11 : i32
    %dma_start3A_122 = arith.constant 0 : i32
    %dma_start3A_123 = arith.constant 0 : i32
    %dma_start3A_124 = tpu.memref_slice %arg2[%dma_start3A_121, %dma_start3A_122, %dma_start3A_123] : memref<17x6400x128xf32, #tpu.memory_space<any>> -> memref<1x6400x128xf32, #tpu.memory_space<any>>
    %dma_start3A_125 = tpu.memref_squeeze %dma_start3A_124 : memref<1x6400x128xf32, #tpu.memory_space<any>> -> memref<6400x128xf32, #tpu.memory_space<any>>
    %dma_start3A_126 = arith.constant 0 : i32
    %dma_start3A_127 = arith.constant 0 : i32
    %dma_start3A_128 = tpu.memref_slice %arg1[%get3A_120, %dma_start3A_126, %dma_start3A_127] : memref<17x6400x128xf32, #tpu.memory_space<any>> -> memref<1x6400x128xf32, #tpu.memory_space<any>>
    %dma_start3A_129 = tpu.memref_squeeze %dma_start3A_128 : memref<1x6400x128xf32, #tpu.memory_space<any>> -> memref<6400x128xf32, #tpu.memory_space<any>>
    tpu.enqueue_dma source(%dma_start3A_129 : memref<6400x128xf32, #tpu.memory_space<any>>) target(%dma_start3A_125 : memref<6400x128xf32, #tpu.memory_space<any>>) target_semaphore(%arg14 : memref<!tpu.dma_semaphore, #tpu.memory_space<semaphore_mem>>) {priority = 1 : i32}
    %get3A_130 = arith.constant 12 : index
    %get3A_131 = memref.load %arg0[%get3A_130] : memref<17xi32, #tpu.memory_space<smem>>
    %dma_start3A_132 = arith.constant 12 : i32
    %dma_start3A_133 = arith.constant 0 : i32
    %dma_start3A_134 = arith.constant 0 : i32
    %dma_start3A_135 = tpu.memref_slice %arg2[%dma_start3A_132, %dma_start3A_133, %dma_start3A_134] : memref<17x6400x128xf32, #tpu.memory_space<any>> -> memref<1x6400x128xf32, #tpu.memory_space<any>>
    %dma_start3A_136 = tpu.memref_squeeze %dma_start3A_135 : memref<1x6400x128xf32, #tpu.memory_space<any>> -> memref<6400x128xf32, #tpu.memory_space<any>>
    %dma_start3A_137 = arith.constant 0 : i32
    %dma_start3A_138 = arith.constant 0 : i32
    %dma_start3A_139 = tpu.memref_slice %arg1[%get3A_131, %dma_start3A_137, %dma_start3A_138] : memref<17x6400x128xf32, #tpu.memory_space<any>> -> memref<1x6400x128xf32, #tpu.memory_space<any>>
    %dma_start3A_140 = tpu.memref_squeeze %dma_start3A_139 : memref<1x6400x128xf32, #tpu.memory_space<any>> -> memref<6400x128xf32, #tpu.memory_space<any>>
    tpu.enqueue_dma source(%dma_start3A_140 : memref<6400x128xf32, #tpu.memory_space<any>>) target(%dma_start3A_136 : memref<6400x128xf32, #tpu.memory_space<any>>) target_semaphore(%arg15 : memref<!tpu.dma_semaphore, #tpu.memory_space<semaphore_mem>>)
    %get3A_141 = arith.constant 13 : index
    %get3A_142 = memref.load %arg0[%get3A_141] : memref<17xi32, #tpu.memory_space<smem>>
    %dma_start3A_143 = arith.constant 13 : i32
    %dma_start3A_144 = arith.constant 0 : i32
    %dma_start3A_145 = arith.constant 0 : i32
    %dma_start3A_146 = tpu.memref_slice %arg2[%dma_start3A_143, %dma_start3A_144, %dma_start3A_145] : memref<17x6400x128xf32, #tpu.memory_space<any>> -> memref<1x6400x128xf32, #tpu.memory_space<any>>
    %dma_start3A_147 = tpu.memref_squeeze %dma_start3A_146 : memref<1x6400x128xf32, #tpu.memory_space<any>> -> memref<6400x128xf32, #tpu.memory_space<any>>
    %dma_start3A_148 = arith.constant 0 : i32
    %dma_start3A_149 = arith.constant 0 : i32
    %dma_start3A_150 = tpu.memref_slice %arg1[%get3A_142, %dma_start3A_148, %dma_start3A_149] : memref<17x6400x128xf32, #tpu.memory_space<any>> -> memref<1x6400x128xf32, #tpu.memory_space<any>>
    %dma_start3A_151 = tpu.memref_squeeze %dma_start3A_150 : memref<1x6400x128xf32, #tpu.memory_space<any>> -> memref<6400x128xf32, #tpu.memory_space<any>>
    tpu.enqueue_dma source(%dma_start3A_151 : memref<6400x128xf32, #tpu.memory_space<any>>) target(%dma_start3A_147 : memref<6400x128xf32, #tpu.memory_space<any>>) target_semaphore(%arg16 : memref<!tpu.dma_semaphore, #tpu.memory_space<semaphore_mem>>) {priority = 1 : i32}
    %get3A_152 = arith.constant 14 : index
    %get3A_153 = memref.load %arg0[%get3A_152] : memref<17xi32, #tpu.memory_space<smem>>
    %dma_start3A_154 = arith.constant 14 : i32
    %dma_start3A_155 = arith.constant 0 : i32
    %dma_start3A_156 = arith.constant 0 : i32
    %dma_start3A_157 = tpu.memref_slice %arg2[%dma_start3A_154, %dma_start3A_155, %dma_start3A_156] : memref<17x6400x128xf32, #tpu.memory_space<any>> -> memref<1x6400x128xf32, #tpu.memory_space<any>>
    %dma_start3A_158 = tpu.memref_squeeze %dma_start3A_157 : memref<1x6400x128xf32, #tpu.memory_space<any>> -> memref<6400x128xf32, #tpu.memory_space<any>>
    %dma_start3A_159 = arith.constant 0 : i32
    %dma_start3A_160 = arith.constant 0 : i32
    %dma_start3A_161 = tpu.memref_slice %arg1[%get3A_153, %dma_start3A_159, %dma_start3A_160] : memref<17x6400x128xf32, #tpu.memory_space<any>> -> memref<1x6400x128xf32, #tpu.memory_space<any>>
    %dma_start3A_162 = tpu.memref_squeeze %dma_start3A_161 : memref<1x6400x128xf32, #tpu.memory_space<any>> -> memref<6400x128xf32, #tpu.memory_space<any>>
    tpu.enqueue_dma source(%dma_start3A_162 : memref<6400x128xf32, #tpu.memory_space<any>>) target(%dma_start3A_158 : memref<6400x128xf32, #tpu.memory_space<any>>) target_semaphore(%arg17 : memref<!tpu.dma_semaphore, #tpu.memory_space<semaphore_mem>>)
    %get3A_163 = arith.constant 15 : index
    %get3A_164 = memref.load %arg0[%get3A_163] : memref<17xi32, #tpu.memory_space<smem>>
    %dma_start3A_165 = arith.constant 15 : i32
    %dma_start3A_166 = arith.constant 0 : i32
    %dma_start3A_167 = arith.constant 0 : i32
    %dma_start3A_168 = tpu.memref_slice %arg2[%dma_start3A_165, %dma_start3A_166, %dma_start3A_167] : memref<17x6400x128xf32, #tpu.memory_space<any>> -> memref<1x6400x128xf32, #tpu.memory_space<any>>
    %dma_start3A_169 = tpu.memref_squeeze %dma_start3A_168 : memref<1x6400x128xf32, #tpu.memory_space<any>> -> memref<6400x128xf32, #tpu.memory_space<any>>
    %dma_start3A_170 = arith.constant 0 : i32
    %dma_start3A_171 = arith.constant 0 : i32
    %dma_start3A_172 = tpu.memref_slice %arg1[%get3A_164, %dma_start3A_170, %dma_start3A_171] : memref<17x6400x128xf32, #tpu.memory_space<any>> -> memref<1x6400x128xf32, #tpu.memory_space<any>>
    %dma_start3A_173 = tpu.memref_squeeze %dma_start3A_172 : memref<1x6400x128xf32, #tpu.memory_space<any>> -> memref<6400x128xf32, #tpu.memory_space<any>>
    tpu.enqueue_dma source(%dma_start3A_173 : memref<6400x128xf32, #tpu.memory_space<any>>) target(%dma_start3A_169 : memref<6400x128xf32, #tpu.memory_space<any>>) target_semaphore(%arg18 : memref<!tpu.dma_semaphore, #tpu.memory_space<semaphore_mem>>) {priority = 1 : i32}
    %get3A_174 = arith.constant 16 : index
    %get3A_175 = memref.load %arg0[%get3A_174] : memref<17xi32, #tpu.memory_space<smem>>
    %dma_start3A_176 = arith.constant 16 : i32
    %dma_start3A_177 = arith.constant 0 : i32
    %dma_start3A_178 = arith.constant 0 : i32
    %dma_start3A_179 = tpu.memref_slice %arg2[%dma_start3A_176, %dma_start3A_177, %dma_start3A_178] : memref<17x6400x128xf32, #tpu.memory_space<any>> -> memref<1x6400x128xf32, #tpu.memory_space<any>>
    %dma_start3A_180 = tpu.memref_squeeze %dma_start3A_179 : memref<1x6400x128xf32, #tpu.memory_space<any>> -> memref<6400x128xf32, #tpu.memory_space<any>>
    %dma_start3A_181 = arith.constant 0 : i32
    %dma_start3A_182 = arith.constant 0 : i32
    %dma_start3A_183 = tpu.memref_slice %arg1[%get3A_175, %dma_start3A_181, %dma_start3A_182] : memref<17x6400x128xf32, #tpu.memory_space<any>> -> memref<1x6400x128xf32, #tpu.memory_space<any>>
    %dma_start3A_184 = tpu.memref_squeeze %dma_start3A_183 : memref<1x6400x128xf32, #tpu.memory_space<any>> -> memref<6400x128xf32, #tpu.memory_space<any>>
    tpu.enqueue_dma source(%dma_start3A_184 : memref<6400x128xf32, #tpu.memory_space<any>>) target(%dma_start3A_180 : memref<6400x128xf32, #tpu.memory_space<any>>) target_semaphore(%arg19 : memref<!tpu.dma_semaphore, #tpu.memory_space<semaphore_mem>>)
    %get3A_185 = arith.constant 0 : index
    %get3A_186 = memref.load %arg0[%get3A_185] : memref<17xi32, #tpu.memory_space<smem>>
    %dma_wait3A = arith.constant 0 : i32
    %dma_wait3A_187 = arith.constant 0 : i32
    %dma_wait3A_188 = arith.constant 0 : i32
    %dma_wait3A_189 = tpu.memref_slice %arg2[%dma_wait3A, %dma_wait3A_187, %dma_wait3A_188] : memref<17x6400x128xf32, #tpu.memory_space<any>> -> memref<1x6400x128xf32, #tpu.memory_space<any>>
    %dma_wait3A_190 = tpu.memref_squeeze %dma_wait3A_189 : memref<1x6400x128xf32, #tpu.memory_space<any>> -> memref<6400x128xf32, #tpu.memory_space<any>>
    %dma_wait3A_191 = arith.constant 0 : i32
    %dma_wait3A_192 = arith.constant 0 : i32
    %dma_wait3A_193 = tpu.memref_slice %arg1[%get3A_186, %dma_wait3A_191, %dma_wait3A_192] : memref<17x6400x128xf32, #tpu.memory_space<any>> -> memref<1x6400x128xf32, #tpu.memory_space<any>>
    %dma_wait3A_194 = tpu.memref_squeeze %dma_wait3A_193 : memref<1x6400x128xf32, #tpu.memory_space<any>> -> memref<6400x128xf32, #tpu.memory_space<any>>
    tpu.wait_dma2 semaphore(%arg3 : memref<!tpu.dma_semaphore, #tpu.memory_space<semaphore_mem>>) src(%dma_wait3A_194 : memref<6400x128xf32, #tpu.memory_space<any>>) dst(%dma_wait3A_190 : memref<6400x128xf32, #tpu.memory_space<any>>)
    %get3A_195 = arith.constant 1 : index
    %get3A_196 = memref.load %arg0[%get3A_195] : memref<17xi32, #tpu.memory_space<smem>>
    %dma_wait3A_197 = arith.constant 1 : i32
    %dma_wait3A_198 = arith.constant 0 : i32
    %dma_wait3A_199 = arith.constant 0 : i32
    %dma_wait3A_200 = tpu.memref_slice %arg2[%dma_wait3A_197, %dma_wait3A_198, %dma_wait3A_199] : memref<17x6400x128xf32, #tpu.memory_space<any>> -> memref<1x6400x128xf32, #tpu.memory_space<any>>
    %dma_wait3A_201 = tpu.memref_squeeze %dma_wait3A_200 : memref<1x6400x128xf32, #tpu.memory_space<any>> -> memref<6400x128xf32, #tpu.memory_space<any>>
    %dma_wait3A_202 = arith.constant 0 : i32
    %dma_wait3A_203 = arith.constant 0 : i32
    %dma_wait3A_204 = tpu.memref_slice %arg1[%get3A_196, %dma_wait3A_202, %dma_wait3A_203] : memref<17x6400x128xf32, #tpu.memory_space<any>> -> memref<1x6400x128xf32, #tpu.memory_space<any>>
    %dma_wait3A_205 = tpu.memref_squeeze %dma_wait3A_204 : memref<1x6400x128xf32, #tpu.memory_space<any>> -> memref<6400x128xf32, #tpu.memory_space<any>>
    tpu.wait_dma2 semaphore(%arg4 : memref<!tpu.dma_semaphore, #tpu.memory_space<semaphore_mem>>) src(%dma_wait3A_205 : memref<6400x128xf32, #tpu.memory_space<any>>) dst(%dma_wait3A_201 : memref<6400x128xf32, #tpu.memory_space<any>>)
    %get3A_206 = arith.constant 2 : index
    %get3A_207 = memref.load %arg0[%get3A_206] : memref<17xi32, #tpu.memory_space<smem>>
    %dma_wait3A_208 = arith.constant 2 : i32
    %dma_wait3A_209 = arith.constant 0 : i32
    %dma_wait3A_210 = arith.constant 0 : i32
    %dma_wait3A_211 = tpu.memref_slice %arg2[%dma_wait3A_208, %dma_wait3A_209, %dma_wait3A_210] : memref<17x6400x128xf32, #tpu.memory_space<any>> -> memref<1x6400x128xf32, #tpu.memory_space<any>>
    %dma_wait3A_212 = tpu.memref_squeeze %dma_wait3A_211 : memref<1x6400x128xf32, #tpu.memory_space<any>> -> memref<6400x128xf32, #tpu.memory_space<any>>
    %dma_wait3A_213 = arith.constant 0 : i32
    %dma_wait3A_214 = arith.constant 0 : i32
    %dma_wait3A_215 = tpu.memref_slice %arg1[%get3A_207, %dma_wait3A_213, %dma_wait3A_214] : memref<17x6400x128xf32, #tpu.memory_space<any>> -> memref<1x6400x128xf32, #tpu.memory_space<any>>
    %dma_wait3A_216 = tpu.memref_squeeze %dma_wait3A_215 : memref<1x6400x128xf32, #tpu.memory_space<any>> -> memref<6400x128xf32, #tpu.memory_space<any>>
    tpu.wait_dma2 semaphore(%arg5 : memref<!tpu.dma_semaphore, #tpu.memory_space<semaphore_mem>>) src(%dma_wait3A_216 : memref<6400x128xf32, #tpu.memory_space<any>>) dst(%dma_wait3A_212 : memref<6400x128xf32, #tpu.memory_space<any>>)
    %get3A_217 = arith.constant 3 : index
    %get3A_218 = memref.load %arg0[%get3A_217] : memref<17xi32, #tpu.memory_space<smem>>
    %dma_wait3A_219 = arith.constant 3 : i32
    %dma_wait3A_220 = arith.constant 0 : i32
    %dma_wait3A_221 = arith.constant 0 : i32
    %dma_wait3A_222 = tpu.memref_slice %arg2[%dma_wait3A_219, %dma_wait3A_220, %dma_wait3A_221] : memref<17x6400x128xf32, #tpu.memory_space<any>> -> memref<1x6400x128xf32, #tpu.memory_space<any>>
    %dma_wait3A_223 = tpu.memref_squeeze %dma_wait3A_222 : memref<1x6400x128xf32, #tpu.memory_space<any>> -> memref<6400x128xf32, #tpu.memory_space<any>>
    %dma_wait3A_224 = arith.constant 0 : i32
    %dma_wait3A_225 = arith.constant 0 : i32
    %dma_wait3A_226 = tpu.memref_slice %arg1[%get3A_218, %dma_wait3A_224, %dma_wait3A_225] : memref<17x6400x128xf32, #tpu.memory_space<any>> -> memref<1x6400x128xf32, #tpu.memory_space<any>>
    %dma_wait3A_227 = tpu.memref_squeeze %dma_wait3A_226 : memref<1x6400x128xf32, #tpu.memory_space<any>> -> memref<6400x128xf32, #tpu.memory_space<any>>
    tpu.wait_dma2 semaphore(%arg6 : memref<!tpu.dma_semaphore, #tpu.memory_space<semaphore_mem>>) src(%dma_wait3A_227 : memref<6400x128xf32, #tpu.memory_space<any>>) dst(%dma_wait3A_223 : memref<6400x128xf32, #tpu.memory_space<any>>)
    %get3A_228 = arith.constant 4 : index
    %get3A_229 = memref.load %arg0[%get3A_228] : memref<17xi32, #tpu.memory_space<smem>>
    %dma_wait3A_230 = arith.constant 4 : i32
    %dma_wait3A_231 = arith.constant 0 : i32
    %dma_wait3A_232 = arith.constant 0 : i32
    %dma_wait3A_233 = tpu.memref_slice %arg2[%dma_wait3A_230, %dma_wait3A_231, %dma_wait3A_232] : memref<17x6400x128xf32, #tpu.memory_space<any>> -> memref<1x6400x128xf32, #tpu.memory_space<any>>
    %dma_wait3A_234 = tpu.memref_squeeze %dma_wait3A_233 : memref<1x6400x128xf32, #tpu.memory_space<any>> -> memref<6400x128xf32, #tpu.memory_space<any>>
    %dma_wait3A_235 = arith.constant 0 : i32
    %dma_wait3A_236 = arith.constant 0 : i32
    %dma_wait3A_237 = tpu.memref_slice %arg1[%get3A_229, %dma_wait3A_235, %dma_wait3A_236] : memref<17x6400x128xf32, #tpu.memory_space<any>> -> memref<1x6400x128xf32, #tpu.memory_space<any>>
    %dma_wait3A_238 = tpu.memref_squeeze %dma_wait3A_237 : memref<1x6400x128xf32, #tpu.memory_space<any>> -> memref<6400x128xf32, #tpu.memory_space<any>>
    tpu.wait_dma2 semaphore(%arg7 : memref<!tpu.dma_semaphore, #tpu.memory_space<semaphore_mem>>) src(%dma_wait3A_238 : memref<6400x128xf32, #tpu.memory_space<any>>) dst(%dma_wait3A_234 : memref<6400x128xf32, #tpu.memory_space<any>>)
    %get3A_239 = arith.constant 5 : index
    %get3A_240 = memref.load %arg0[%get3A_239] : memref<17xi32, #tpu.memory_space<smem>>
    %dma_wait3A_241 = arith.constant 5 : i32
    %dma_wait3A_242 = arith.constant 0 : i32
    %dma_wait3A_243 = arith.constant 0 : i32
    %dma_wait3A_244 = tpu.memref_slice %arg2[%dma_wait3A_241, %dma_wait3A_242, %dma_wait3A_243] : memref<17x6400x128xf32, #tpu.memory_space<any>> -> memref<1x6400x128xf32, #tpu.memory_space<any>>
    %dma_wait3A_245 = tpu.memref_squeeze %dma_wait3A_244 : memref<1x6400x128xf32, #tpu.memory_space<any>> -> memref<6400x128xf32, #tpu.memory_space<any>>
    %dma_wait3A_246 = arith.constant 0 : i32
    %dma_wait3A_247 = arith.constant 0 : i32
    %dma_wait3A_248 = tpu.memref_slice %arg1[%get3A_240, %dma_wait3A_246, %dma_wait3A_247] : memref<17x6400x128xf32, #tpu.memory_space<any>> -> memref<1x6400x128xf32, #tpu.memory_space<any>>
    %dma_wait3A_249 = tpu.memref_squeeze %dma_wait3A_248 : memref<1x6400x128xf32, #tpu.memory_space<any>> -> memref<6400x128xf32, #tpu.memory_space<any>>
    tpu.wait_dma2 semaphore(%arg8 : memref<!tpu.dma_semaphore, #tpu.memory_space<semaphore_mem>>) src(%dma_wait3A_249 : memref<6400x128xf32, #tpu.memory_space<any>>) dst(%dma_wait3A_245 : memref<6400x128xf32, #tpu.memory_space<any>>)
    %get3A_250 = arith.constant 6 : index
    %get3A_251 = memref.load %arg0[%get3A_250] : memref<17xi32, #tpu.memory_space<smem>>
    %dma_wait3A_252 = arith.constant 6 : i32
    %dma_wait3A_253 = arith.constant 0 : i32
    %dma_wait3A_254 = arith.constant 0 : i32
    %dma_wait3A_255 = tpu.memref_slice %arg2[%dma_wait3A_252, %dma_wait3A_253, %dma_wait3A_254] : memref<17x6400x128xf32, #tpu.memory_space<any>> -> memref<1x6400x128xf32, #tpu.memory_space<any>>
    %dma_wait3A_256 = tpu.memref_squeeze %dma_wait3A_255 : memref<1x6400x128xf32, #tpu.memory_space<any>> -> memref<6400x128xf32, #tpu.memory_space<any>>
    %dma_wait3A_257 = arith.constant 0 : i32
    %dma_wait3A_258 = arith.constant 0 : i32
    %dma_wait3A_259 = tpu.memref_slice %arg1[%get3A_251, %dma_wait3A_257, %dma_wait3A_258] : memref<17x6400x128xf32, #tpu.memory_space<any>> -> memref<1x6400x128xf32, #tpu.memory_space<any>>
    %dma_wait3A_260 = tpu.memref_squeeze %dma_wait3A_259 : memref<1x6400x128xf32, #tpu.memory_space<any>> -> memref<6400x128xf32, #tpu.memory_space<any>>
    tpu.wait_dma2 semaphore(%arg9 : memref<!tpu.dma_semaphore, #tpu.memory_space<semaphore_mem>>) src(%dma_wait3A_260 : memref<6400x128xf32, #tpu.memory_space<any>>) dst(%dma_wait3A_256 : memref<6400x128xf32, #tpu.memory_space<any>>)
    %get3A_261 = arith.constant 7 : index
    %get3A_262 = memref.load %arg0[%get3A_261] : memref<17xi32, #tpu.memory_space<smem>>
    %dma_wait3A_263 = arith.constant 7 : i32
    %dma_wait3A_264 = arith.constant 0 : i32
    %dma_wait3A_265 = arith.constant 0 : i32
    %dma_wait3A_266 = tpu.memref_slice %arg2[%dma_wait3A_263, %dma_wait3A_264, %dma_wait3A_265] : memref<17x6400x128xf32, #tpu.memory_space<any>> -> memref<1x6400x128xf32, #tpu.memory_space<any>>
    %dma_wait3A_267 = tpu.memref_squeeze %dma_wait3A_266 : memref<1x6400x128xf32, #tpu.memory_space<any>> -> memref<6400x128xf32, #tpu.memory_space<any>>
    %dma_wait3A_268 = arith.constant 0 : i32
    %dma_wait3A_269 = arith.constant 0 : i32
    %dma_wait3A_270 = tpu.memref_slice %arg1[%get3A_262, %dma_wait3A_268, %dma_wait3A_269] : memref<17x6400x128xf32, #tpu.memory_space<any>> -> memref<1x6400x128xf32, #tpu.memory_space<any>>
    %dma_wait3A_271 = tpu.memref_squeeze %dma_wait3A_270 : memref<1x6400x128xf32, #tpu.memory_space<any>> -> memref<6400x128xf32, #tpu.memory_space<any>>
    tpu.wait_dma2 semaphore(%arg10 : memref<!tpu.dma_semaphore, #tpu.memory_space<semaphore_mem>>) src(%dma_wait3A_271 : memref<6400x128xf32, #tpu.memory_space<any>>) dst(%dma_wait3A_267 : memref<6400x128xf32, #tpu.memory_space<any>>)
    %get3A_272 = arith.constant 8 : index
    %get3A_273 = memref.load %arg0[%get3A_272] : memref<17xi32, #tpu.memory_space<smem>>
    %dma_wait3A_274 = arith.constant 8 : i32
    %dma_wait3A_275 = arith.constant 0 : i32
    %dma_wait3A_276 = arith.constant 0 : i32
    %dma_wait3A_277 = tpu.memref_slice %arg2[%dma_wait3A_274, %dma_wait3A_275, %dma_wait3A_276] : memref<17x6400x128xf32, #tpu.memory_space<any>> -> memref<1x6400x128xf32, #tpu.memory_space<any>>
    %dma_wait3A_278 = tpu.memref_squeeze %dma_wait3A_277 : memref<1x6400x128xf32, #tpu.memory_space<any>> -> memref<6400x128xf32, #tpu.memory_space<any>>
    %dma_wait3A_279 = arith.constant 0 : i32
    %dma_wait3A_280 = arith.constant 0 : i32
    %dma_wait3A_281 = tpu.memref_slice %arg1[%get3A_273, %dma_wait3A_279, %dma_wait3A_280] : memref<17x6400x128xf32, #tpu.memory_space<any>> -> memref<1x6400x128xf32, #tpu.memory_space<any>>
    %dma_wait3A_282 = tpu.memref_squeeze %dma_wait3A_281 : memref<1x6400x128xf32, #tpu.memory_space<any>> -> memref<6400x128xf32, #tpu.memory_space<any>>
    tpu.wait_dma2 semaphore(%arg11 : memref<!tpu.dma_semaphore, #tpu.memory_space<semaphore_mem>>) src(%dma_wait3A_282 : memref<6400x128xf32, #tpu.memory_space<any>>) dst(%dma_wait3A_278 : memref<6400x128xf32, #tpu.memory_space<any>>)
    %get3A_283 = arith.constant 9 : index
    %get3A_284 = memref.load %arg0[%get3A_283] : memref<17xi32, #tpu.memory_space<smem>>
    %dma_wait3A_285 = arith.constant 9 : i32
    %dma_wait3A_286 = arith.constant 0 : i32
    %dma_wait3A_287 = arith.constant 0 : i32
    %dma_wait3A_288 = tpu.memref_slice %arg2[%dma_wait3A_285, %dma_wait3A_286, %dma_wait3A_287] : memref<17x6400x128xf32, #tpu.memory_space<any>> -> memref<1x6400x128xf32, #tpu.memory_space<any>>
    %dma_wait3A_289 = tpu.memref_squeeze %dma_wait3A_288 : memref<1x6400x128xf32, #tpu.memory_space<any>> -> memref<6400x128xf32, #tpu.memory_space<any>>
    %dma_wait3A_290 = arith.constant 0 : i32
    %dma_wait3A_291 = arith.constant 0 : i32
    %dma_wait3A_292 = tpu.memref_slice %arg1[%get3A_284, %dma_wait3A_290, %dma_wait3A_291] : memref<17x6400x128xf32, #tpu.memory_space<any>> -> memref<1x6400x128xf32, #tpu.memory_space<any>>
    %dma_wait3A_293 = tpu.memref_squeeze %dma_wait3A_292 : memref<1x6400x128xf32, #tpu.memory_space<any>> -> memref<6400x128xf32, #tpu.memory_space<any>>
    tpu.wait_dma2 semaphore(%arg12 : memref<!tpu.dma_semaphore, #tpu.memory_space<semaphore_mem>>) src(%dma_wait3A_293 : memref<6400x128xf32, #tpu.memory_space<any>>) dst(%dma_wait3A_289 : memref<6400x128xf32, #tpu.memory_space<any>>)
    %get3A_294 = arith.constant 10 : index
    %get3A_295 = memref.load %arg0[%get3A_294] : memref<17xi32, #tpu.memory_space<smem>>
    %dma_wait3A_296 = arith.constant 10 : i32
    %dma_wait3A_297 = arith.constant 0 : i32
    %dma_wait3A_298 = arith.constant 0 : i32
    %dma_wait3A_299 = tpu.memref_slice %arg2[%dma_wait3A_296, %dma_wait3A_297, %dma_wait3A_298] : memref<17x6400x128xf32, #tpu.memory_space<any>> -> memref<1x6400x128xf32, #tpu.memory_space<any>>
    %dma_wait3A_300 = tpu.memref_squeeze %dma_wait3A_299 : memref<1x6400x128xf32, #tpu.memory_space<any>> -> memref<6400x128xf32, #tpu.memory_space<any>>
    %dma_wait3A_301 = arith.constant 0 : i32
    %dma_wait3A_302 = arith.constant 0 : i32
    %dma_wait3A_303 = tpu.memref_slice %arg1[%get3A_295, %dma_wait3A_301, %dma_wait3A_302] : memref<17x6400x128xf32, #tpu.memory_space<any>> -> memref<1x6400x128xf32, #tpu.memory_space<any>>
    %dma_wait3A_304 = tpu.memref_squeeze %dma_wait3A_303 : memref<1x6400x128xf32, #tpu.memory_space<any>> -> memref<6400x128xf32, #tpu.memory_space<any>>
    tpu.wait_dma2 semaphore(%arg13 : memref<!tpu.dma_semaphore, #tpu.memory_space<semaphore_mem>>) src(%dma_wait3A_304 : memref<6400x128xf32, #tpu.memory_space<any>>) dst(%dma_wait3A_300 : memref<6400x128xf32, #tpu.memory_space<any>>)
    %get3A_305 = arith.constant 11 : index
    %get3A_306 = memref.load %arg0[%get3A_305] : memref<17xi32, #tpu.memory_space<smem>>
    %dma_wait3A_307 = arith.constant 11 : i32
    %dma_wait3A_308 = arith.constant 0 : i32
    %dma_wait3A_309 = arith.constant 0 : i32
    %dma_wait3A_310 = tpu.memref_slice %arg2[%dma_wait3A_307, %dma_wait3A_308, %dma_wait3A_309] : memref<17x6400x128xf32, #tpu.memory_space<any>> -> memref<1x6400x128xf32, #tpu.memory_space<any>>
    %dma_wait3A_311 = tpu.memref_squeeze %dma_wait3A_310 : memref<1x6400x128xf32, #tpu.memory_space<any>> -> memref<6400x128xf32, #tpu.memory_space<any>>
    %dma_wait3A_312 = arith.constant 0 : i32
    %dma_wait3A_313 = arith.constant 0 : i32
    %dma_wait3A_314 = tpu.memref_slice %arg1[%get3A_306, %dma_wait3A_312, %dma_wait3A_313] : memref<17x6400x128xf32, #tpu.memory_space<any>> -> memref<1x6400x128xf32, #tpu.memory_space<any>>
    %dma_wait3A_315 = tpu.memref_squeeze %dma_wait3A_314 : memref<1x6400x128xf32, #tpu.memory_space<any>> -> memref<6400x128xf32, #tpu.memory_space<any>>
    tpu.wait_dma2 semaphore(%arg14 : memref<!tpu.dma_semaphore, #tpu.memory_space<semaphore_mem>>) src(%dma_wait3A_315 : memref<6400x128xf32, #tpu.memory_space<any>>) dst(%dma_wait3A_311 : memref<6400x128xf32, #tpu.memory_space<any>>)
    %get3A_316 = arith.constant 12 : index
    %get3A_317 = memref.load %arg0[%get3A_316] : memref<17xi32, #tpu.memory_space<smem>>
    %dma_wait3A_318 = arith.constant 12 : i32
    %dma_wait3A_319 = arith.constant 0 : i32
    %dma_wait3A_320 = arith.constant 0 : i32
    %dma_wait3A_321 = tpu.memref_slice %arg2[%dma_wait3A_318, %dma_wait3A_319, %dma_wait3A_320] : memref<17x6400x128xf32, #tpu.memory_space<any>> -> memref<1x6400x128xf32, #tpu.memory_space<any>>
    %dma_wait3A_322 = tpu.memref_squeeze %dma_wait3A_321 : memref<1x6400x128xf32, #tpu.memory_space<any>> -> memref<6400x128xf32, #tpu.memory_space<any>>
    %dma_wait3A_323 = arith.constant 0 : i32
    %dma_wait3A_324 = arith.constant 0 : i32
    %dma_wait3A_325 = tpu.memref_slice %arg1[%get3A_317, %dma_wait3A_323, %dma_wait3A_324] : memref<17x6400x128xf32, #tpu.memory_space<any>> -> memref<1x6400x128xf32, #tpu.memory_space<any>>
    %dma_wait3A_326 = tpu.memref_squeeze %dma_wait3A_325 : memref<1x6400x128xf32, #tpu.memory_space<any>> -> memref<6400x128xf32, #tpu.memory_space<any>>
    tpu.wait_dma2 semaphore(%arg15 : memref<!tpu.dma_semaphore, #tpu.memory_space<semaphore_mem>>) src(%dma_wait3A_326 : memref<6400x128xf32, #tpu.memory_space<any>>) dst(%dma_wait3A_322 : memref<6400x128xf32, #tpu.memory_space<any>>)
    %get3A_327 = arith.constant 13 : index
    %get3A_328 = memref.load %arg0[%get3A_327] : memref<17xi32, #tpu.memory_space<smem>>
    %dma_wait3A_329 = arith.constant 13 : i32
    %dma_wait3A_330 = arith.constant 0 : i32
    %dma_wait3A_331 = arith.constant 0 : i32
    %dma_wait3A_332 = tpu.memref_slice %arg2[%dma_wait3A_329, %dma_wait3A_330, %dma_wait3A_331] : memref<17x6400x128xf32, #tpu.memory_space<any>> -> memref<1x6400x128xf32, #tpu.memory_space<any>>
    %dma_wait3A_333 = tpu.memref_squeeze %dma_wait3A_332 : memref<1x6400x128xf32, #tpu.memory_space<any>> -> memref<6400x128xf32, #tpu.memory_space<any>>
    %dma_wait3A_334 = arith.constant 0 : i32
    %dma_wait3A_335 = arith.constant 0 : i32
    %dma_wait3A_336 = tpu.memref_slice %arg1[%get3A_328, %dma_wait3A_334, %dma_wait3A_335] : memref<17x6400x128xf32, #tpu.memory_space<any>> -> memref<1x6400x128xf32, #tpu.memory_space<any>>
    %dma_wait3A_337 = tpu.memref_squeeze %dma_wait3A_336 : memref<1x6400x128xf32, #tpu.memory_space<any>> -> memref<6400x128xf32, #tpu.memory_space<any>>
    tpu.wait_dma2 semaphore(%arg16 : memref<!tpu.dma_semaphore, #tpu.memory_space<semaphore_mem>>) src(%dma_wait3A_337 : memref<6400x128xf32, #tpu.memory_space<any>>) dst(%dma_wait3A_333 : memref<6400x128xf32, #tpu.memory_space<any>>)
    %get3A_338 = arith.constant 14 : index
    %get3A_339 = memref.load %arg0[%get3A_338] : memref<17xi32, #tpu.memory_space<smem>>
    %dma_wait3A_340 = arith.constant 14 : i32
    %dma_wait3A_341 = arith.constant 0 : i32
    %dma_wait3A_342 = arith.constant 0 : i32
    %dma_wait3A_343 = tpu.memref_slice %arg2[%dma_wait3A_340, %dma_wait3A_341, %dma_wait3A_342] : memref<17x6400x128xf32, #tpu.memory_space<any>> -> memref<1x6400x128xf32, #tpu.memory_space<any>>
    %dma_wait3A_344 = tpu.memref_squeeze %dma_wait3A_343 : memref<1x6400x128xf32, #tpu.memory_space<any>> -> memref<6400x128xf32, #tpu.memory_space<any>>
    %dma_wait3A_345 = arith.constant 0 : i32
    %dma_wait3A_346 = arith.constant 0 : i32
    %dma_wait3A_347 = tpu.memref_slice %arg1[%get3A_339, %dma_wait3A_345, %dma_wait3A_346] : memref<17x6400x128xf32, #tpu.memory_space<any>> -> memref<1x6400x128xf32, #tpu.memory_space<any>>
    %dma_wait3A_348 = tpu.memref_squeeze %dma_wait3A_347 : memref<1x6400x128xf32, #tpu.memory_space<any>> -> memref<6400x128xf32, #tpu.memory_space<any>>
    tpu.wait_dma2 semaphore(%arg17 : memref<!tpu.dma_semaphore, #tpu.memory_space<semaphore_mem>>) src(%dma_wait3A_348 : memref<6400x128xf32, #tpu.memory_space<any>>) dst(%dma_wait3A_344 : memref<6400x128xf32, #tpu.memory_space<any>>)
    %get3A_349 = arith.constant 15 : index
    %get3A_350 = memref.load %arg0[%get3A_349] : memref<17xi32, #tpu.memory_space<smem>>
    %dma_wait3A_351 = arith.constant 15 : i32
    %dma_wait3A_352 = arith.constant 0 : i32
    %dma_wait3A_353 = arith.constant 0 : i32
    %dma_wait3A_354 = tpu.memref_slice %arg2[%dma_wait3A_351, %dma_wait3A_352, %dma_wait3A_353] : memref<17x6400x128xf32, #tpu.memory_space<any>> -> memref<1x6400x128xf32, #tpu.memory_space<any>>
    %dma_wait3A_355 = tpu.memref_squeeze %dma_wait3A_354 : memref<1x6400x128xf32, #tpu.memory_space<any>> -> memref<6400x128xf32, #tpu.memory_space<any>>
    %dma_wait3A_356 = arith.constant 0 : i32
    %dma_wait3A_357 = arith.constant 0 : i32
    %dma_wait3A_358 = tpu.memref_slice %arg1[%get3A_350, %dma_wait3A_356, %dma_wait3A_357] : memref<17x6400x128xf32, #tpu.memory_space<any>> -> memref<1x6400x128xf32, #tpu.memory_space<any>>
    %dma_wait3A_359 = tpu.memref_squeeze %dma_wait3A_358 : memref<1x6400x128xf32, #tpu.memory_space<any>> -> memref<6400x128xf32, #tpu.memory_space<any>>
    tpu.wait_dma2 semaphore(%arg18 : memref<!tpu.dma_semaphore, #tpu.memory_space<semaphore_mem>>) src(%dma_wait3A_359 : memref<6400x128xf32, #tpu.memory_space<any>>) dst(%dma_wait3A_355 : memref<6400x128xf32, #tpu.memory_space<any>>)
    %get3A_360 = arith.constant 16 : index
    %get3A_361 = memref.load %arg0[%get3A_360] : memref<17xi32, #tpu.memory_space<smem>>
    %dma_wait3A_362 = arith.constant 16 : i32
    %dma_wait3A_363 = arith.constant 0 : i32
    %dma_wait3A_364 = arith.constant 0 : i32
    %dma_wait3A_365 = tpu.memref_slice %arg2[%dma_wait3A_362, %dma_wait3A_363, %dma_wait3A_364] : memref<17x6400x128xf32, #tpu.memory_space<any>> -> memref<1x6400x128xf32, #tpu.memory_space<any>>
    %dma_wait3A_366 = tpu.memref_squeeze %dma_wait3A_365 : memref<1x6400x128xf32, #tpu.memory_space<any>> -> memref<6400x128xf32, #tpu.memory_space<any>>
    %dma_wait3A_367 = arith.constant 0 : i32
    %dma_wait3A_368 = arith.constant 0 : i32
    %dma_wait3A_369 = tpu.memref_slice %arg1[%get3A_361, %dma_wait3A_367, %dma_wait3A_368] : memref<17x6400x128xf32, #tpu.memory_space<any>> -> memref<1x6400x128xf32, #tpu.memory_space<any>>
    %dma_wait3A_370 = tpu.memref_squeeze %dma_wait3A_369 : memref<1x6400x128xf32, #tpu.memory_space<any>> -> memref<6400x128xf32, #tpu.memory_space<any>>
    tpu.wait_dma2 semaphore(%arg19 : memref<!tpu.dma_semaphore, #tpu.memory_space<semaphore_mem>>) src(%dma_wait3A_370 : memref<6400x128xf32, #tpu.memory_space<any>>) dst(%dma_wait3A_366 : memref<6400x128xf32, #tpu.memory_space<any>>)
    return
  }
}

</mosaic_0001>

<sc_bundles>
// kernel: sparse-core-data-format-call.1.cloned.1.call-start
scs
called_computation.1_lowered:
.L_overlay_start_0:
0x0: {  	s2 =	sld [smem:$0x3FD9]  }
0x1: {  	s3 =	sld [smem:$0x3FFE];
	_ =	sdelay $0x1  }
0x2: {  	s1 =	srdreg.scid  }
0x3: {  	s0 =	sand.u32 $0x1, s1  }
0x4: {  	s18 =	sshll.u32 s0, $0xA;
	s2 =	sadd.s32 s3, s2  }
0x5: {  	s2 =	sadd.s32 s2, s18  }
0x6: {  	[smem:$0x3FC6] =	sst s2  }
0x7: {  	_ = 	snop  }
0x8: {  	s2 =	sld [smem:$0x3FC9];
	(tm) =	ssettm $0x1  }
0x9: {  	s19 =	sld [smem:$0x3FFB];
	_ =	sdelay $0x3  }
0xa: {  	_ =	strace s19  }
0xb: {  	s3 =	sld [smem:$0x3FFC];
	_ =	sdelay $0x3  }
0xc: {  	_ =	strace s3  }
0xd: {  	s3 =	sld [smem:$0x3FFD];
	_ =	sdelay $0x3  }
0xe: {  	_ =	strace s3  }
0xf: {  	_ =	strace $0x8FFFFFFF  }
0x10: {  	s20 =	sld [smem:$0x3FDB];
	_ =	sdelay $0x1  }
0x11: {  	s4 =	simm.s32 $_scs_section_size  }
0x12: {  	s5 =	simm.s32 $_size__tile_overlayer_lowered;
	s6 =	simm.s32 $_tile_overlayer_lowered  }
0x13: {  	s23 =	simm.s32 $0x1BFF;
	s22 =	sshll.u32 s6, $0x1;
	s3 =	sadd.s32 s4, s20  }
0x14: {  	s7 =	simm.s32 $0x0;
	s21 =	sshll.u32 s5, $0x1;
	s5 =	sadd.s32 s22, s3  }
0x15: {  	[timem:s7], [sflag:s23] =	dma.local [hbm:s5], s21  }
0x16: {  	_ =	swait.ge [sflag:s23], s21  }
0x17: {  	s4 =	ssub.s32 $0x0, s21;
	[sflag:s23] =	ssyncset.done $0x0  }
0x18: {  	[sflag:s23] =	ssyncadd.s32 s4;
	_ =	sdelay $0x1  }
0x19: {  	s24 =	simm.s32 $0x1B8B  }
0x1a: {  	_ =	swait.ge [sflag:s24], $0x1  }
0x1b: {  	[sflag:s24] =	ssyncset.done $0x0  }
0x1c: {  	s26 =	simm.s32 $0x1B8E;
	s25 =	sld [smem:$0x3FFE];
	[sflag:s24] =	ssyncadd.s32 $0xFFFFFFFF  }
0x1d: {  	s27 =	simm.s32 $execute0_lowered;
	[smem:$0x3FD2] =	sst s26  }
0x1e: {  	s5 =	sshll.u32 s27, $0x1;
	_ =	strace $0x80000046;
	[dreg:$0x1] =	wrdreg $0xFFFFFFFF  }
0x1f: {  	s28 =	simm.s32 $_size_execute0_lowered;
	s3 =	sadd.s32 s3, s5;
	[dreg:$0x0] =	wrdreg $0x0  }
0x20: {  	s5 =	sshll.u32 s28, $0x1;
	[dreg:$0x2] =	wrdreg s3  }
0x21: {  	[dreg:$0x3] =	wrdreg s5  }
0x22: {  	[dreg:$0x4] =	wrdreg $0xC0  }
0x23: {  	_ =	task [dreg:s7], $0x5FFFF  }
0x24: {  	[dreg:$0x1] =	wrdreg $0xFFFFFFFF  }
0x25: {  	[dreg:$0x0] =	wrdreg $0x60  }
0x26: {  	[dreg:$0x2] =	wrdreg s2  }
0x27: {  	[dreg:$0x3] =	wrdreg s25  }
0x28: {  	[dreg:$0x4] =	wrdreg $0x9  }
0x29: {  	_ =	task.clear_ibuf [dreg:s7], $0x5FFFF;
	_ =	strace $0x90000046  }
0x2a: {  	s29 =	simm.s32 $0x9;
	_ =	strace $0x80000048  }
0x2b: {  	_ =	swait.ge [sflag:s29], $0x1  }
0x2c: {  	[sflag:s29] =	ssyncadd.s32 $0xFFFFFFFF  }
0x2d: {  	_ =	strace $0x90000048  }
0x2e: {  	_ =	sfence  }
0x2f: {  	s30 =	sld [smem:$0x0];
	_ =	sdelay $0x2  }
0x30: {  	s31 =	sshll.u32 s1, $0xD;
	s1 =	sshrl.u32 s1, $0x2  }
0x31: {  	s3 =	sand.u32 $0x4000, s31;
	s1 =	sadd.s32 s1, s30  }
0x32: {  	s0 =	sor.u32 s3, s0;
	s1 =	sshll.u32 s1, $0x11  }
0x33: {  	s0 =	sor.u32 s1, s0  }
0x34: {  	s0 =	sadd.s32 $0x8F2B, s0  }
0x35: {  	[sflag:s0] =	ssyncadd.remote.s32 $0x1  }
0x36: {  	_ =	sfence.sel $0xFFFF  }
0x37: {  	[dreg:$0x0] =	wrdreg $0xFFFFFFFF;
	(pc) =	sbr.abs _section_cstart, $3  }
0x38: {  	[dreg:$0x1] =	wrdreg $0xFFFFFFFF  }
0x39: {  	_ =	task.clear_ibuf [dreg:s7], $0x2FFFF;
	_ =	strace $0x9FFFFFFF  }
0x3a: {  	(tm) =	ssettm $0x7FFFFFFF  }
0x3b: {  	_ =	shalt  }
tec
execute0_lowered:
.L_overlay_start_1:
0x0: {  	(tag) =	ssettag $0x1  }
0x1: {  	s0 =	stileid.u32  }
0x2: {  	s1 =	srdreg.scid;
	s3 =	rddreg [dreg:$0x0]  }
0x3: {  	s5 =	rddreg [dreg:$0x1];
	s2 =	sshll.u32 s0, $0x6;
	s1 =	sshll.u32 s1, $0xA  }
0x4: {  	s6 =	simm.s32 $0x1;
	s8 =	simm.s32 $0x2;
	s1 =	sor.u32 s2, s1  }
0x5: {  	s16 =	simm.s32 $0x0;
	s9 =	simm.s32 $0x800;
	s2 =	sand.u32 $0x780, s1  }
0x6: {  	s14 =	simm.s32 $0x0;
	s15 =	simm.s32 $0x0;
	s4 =	ssub.s32 $0x1000, s2  }
0x7: {  	s12 =	simm.s32 $0x0;
	s13 =	simm.s32 $0x0;
	s30 =	sand.u32 $0x780, s4  }
0x8: {  	s1 =	rddreg [dreg:$0x2];
	_ =	strace $0x80000047;
	p0 =	sne.s32 s30, $0x0  }
.Ltmp0:
0x9: {  	s7 =	sshrl.u32 s4, $0xB;
	s6 =	simm.s32 @!p0 $0x0;
	(pc) =	sbr.rel .LBB1_1-.Ltmp0, $4  }
0xa: {  	s4 =	sadd.s32 $0xE00, s5;
	s5 =	simm.s32 $0x1;
	s6 =	sadd.s32 s6, s7  }
0xb: {  	s31 =	sshll.u32 s0, $0x7;
	[sflag:s5] =	ssyncpa.u1 $0x0;
	s6 =	smul.u32 $0x11, s6  }
0xc: {  	s10 =	smov.u32 s2;
	[sflag:s8] =	ssyncpa.u1 $0x0;
	s7 =	sand.u32 $0x80, s31  }
0xd: {  	p0 =	por $0x0, $0x0;
	s11 =	smov.u32 s7;
	s8 =	sadd.s32 $0x1, s6  }
.LBB1_4:
0xe: {  	v5 =	vld [tilespmem:s19+$0xFFFFFFD0];
	[tilespmem:s20+$0x2040 ss:$0x81] =	vst.msk $0xffff, v1  }
0xf: {  	v58 =	vld [tilespmem:s19+$0xFFFFFFE0];
	[tilespmem:s20+$0x2850 ss:$0x81] =	vst.msk $0xffff, v2  }
0x10: {  	s21 =	sshra.s32 s21, $0x2;
	v59 =	vld [tilespmem:s19+$0xFFFFFFF0];
	[tilespmem:s20+$0x3060 ss:$0x81] =	vst.msk $0xffff, v3  }
0x11: {  	v60 =	vld [tilespmem:s19+$0x0];
	[tilespmem:s20+$0x0 ss:$0x81] =	vst.msk $0xffff, v0;
	s18 =	sadd.s32 s21, s18  }
0x12: {  	v61 =	vld [tilespmem:s19+$0x10];
	s25 =	sshll.u32 s16, $0x8;
	[tilespmem:s18+$0x3870 ss:$0x81] =	vst.msk $0xffff, v4  }
0x13: {  	s26 =	sshll.u32 s14, $0x3;
	v62 =	vld [tilespmem:s19+$0x20];
	s27 =	sshll.u32 s16, $0x7;
	s30 =	sand.u32 $0x78, s14;
	[tilespmem:s18+$0x810 ss:$0x81] =	vst.msk $0xffff, v5  }
0x14: {  	v63 =	vld [tilespmem:s19+$0xFFFFFFC0];
	s15 =	sshll.u32 s15, $0x11;
	s20 =	sand.u32 $0xFF800, s25;
	s21 =	sand.u32 $0xFFC00, s26;
	[tilespmem:s18+$0x1020 ss:$0x81] =	vst.msk $0xffff, v58  }
0x15: {  	s29 =	sand.u32 $0x300, s27;
	s16 =	sand.u32 $0x80, s27;
	s28 =	sadd.s32 s21, s20;
	[tilespmem:s18+$0x1830 ss:$0x81] =	vst.msk $0xffff, v59  }
0x16: {  	s31 =	sand.u32 $0x7, s14;
	s16 =	sor.u32 s30, s16;
	s19 =	sor.u32 s29, s28;
	[tilespmem:s18+$0x2040 ss:$0x81] =	vst.msk $0xffff, v60  }
0x17: {  	s15 =	sadd.s32 s4, s15;
	s16 =	sshrl.u32 s16, $0x3;
	s19 =	sshrl.u32 s19, $0x3;
	[tilespmem:s18+$0x2850 ss:$0x81] =	vst.msk $0xffff, v61  }
0x18: {  	s14 =	sshll.u32 s31, $0x12;
	s15 =	sadd.s32 s16, s15;
	[tilespmem:s18+$0x3060 ss:$0x81] =	vst.msk $0xffff, v62;
	s19 =	sand.u32 $0x1FFE0, s19  }
0x19: {  	s14 =	sor.u32 $0x400, s14;
	[tilespmem:s18+$0x0 ss:$0x81] =	vst.msk $0xffff, v63;
	s15 =	sadd.s32 s19, s15  }
0x1a: {  	[hbm4b:s15+s14] =	stream.strided.scatter [tilespmem:s17], [sflag:$0x2], $0x4000, s9, s14, $0x20;
	[tilespmem:$0x10100] =	vst v63  }
.LBB1_5:
0x1b: {  	s17 =	sadd.s32 $0x800, s10  }
0x1c: {  	s14 =	sadd.s32 $0x100, s11;
	s18 =	smov.u32 s11;
	p2 =	sgt.s32 s17, $0xFFF  }
0x1d: {  	s18 =	smov.u32 @p2 s14  }
0x1e: {  	s14 =	simm.s32 $0x1;
	p3 =	sgt.s32 s18, $0xC7  }
0x1f: {  	s14 =	simm.s32 @!p3 $0x0  }
0x20: {  	s20 =	sadd.s32 s14, s12  }
0x21: {  	s17 =	smov.u32 @p2 s2;
	p2 =	sgt.s32 s20, $0x10  }
0x22: {  	p1 =	slt.u32 s13, $0x2;
	s20 =	simm.s32 @p2 $0x0;
	p2 =	sne.s32 s13, s8  }
.Ltmp1:
0x23: {  	s19 =	simm.s32 @!p1 $0x2;
	(pc) =	sbr.rel @!p2 .LBB1_6-.Ltmp1, $4  }
0x24: {  	s16 =	smov.u32 s10;
	s15 =	smov.u32 s12;
	_ =	swait.ge @!p1 [sflag:s19], $0x4000  }
0x25: {  	p0 =	por !p0, !p0;
	[sflag:s19] =	ssyncset.done @!p1 $0x0;
	s10 =	smov.u32 s17  }
0x26: {  	s18 =	smov.u32 @p3 s7;
	[sflag:s19] =	ssyncadd.s32 @!p1 $0xFFFFC000;
	s14 =	smov.u32 s11  }
0x27: {  	s11 =	smov.u32 s18;
	s13 =	sadd.s32 $0x1, s13;
	s12 =	smov.u32 s20  }
.LBB1_1:
0x28: {  	p1 =	sge.u32 s13, s6  }
0x29: {  	p2 =	sgt.s32 @!p1 s12, $0x10  }
0x2a: {  	s17 =	smov.u32 s12;
	s18 =	sshra.s32 @!p1 s12, $0x1F;
	p2 =	por !p2, p1  }
0x2b: {  	s18 =	sand.u32 @!p1 s18, s12;
	s17 =	simm.s32 @p2 $0x10  }
0x2c: {  	s17 =	ssub.s32 @!p1 s17, s18  }
0x2d: {  	s18 =	sadd.s32 @!p1 $0xFFFFFFF0, s17  }
0x2e: {  	s20 =	smov.u32 s11;
	p2 =	sgt.s32 @!p1 s18, $0x0  }
0x2f: {  	s19 =	sshll.u32 @!p1 s11, $0xC;
	s17 =	ssub.s32 @!p1 $0x11, s17;
	p2 =	por !p2, p1  }
0x30: {  	s21 =	sshra.s32 @!p1 s11, $0x1F;
	s17 =	simm.s32 @!p2 $0x0;
	p2 =	sgt.s32 @!p1 s11, $0x48  }
0x31: {  	s23 =	sshra.s32 @!p1 s10, $0x1F;
	s21 =	sand.u32 @!p1 s21, s11;
	p2 =	por !p2, p1  }
0x32: {  	s19 =	sand.u32 @!p1 $0xFFFF8000, s19;
	s23 =	sand.u32 @!p1 s23, s10;
	s20 =	simm.s32 @p2 $0x48  }
0x33: {  	s18 =	sand.u32 @!p1 $0x78, s10;
	p2 =	sgt.s32 @!p1 s10, $0xF80;
	s20 =	ssub.s32 @!p1 s20, s21  }
0x34: {  	p2 =	por !p2, p1;
	s21 =	smov.u32 s10;
	s22 =	sadd.s32 @!p1 $0xFFFFFFB8, s20  }
0x35: {  	s21 =	simm.s32 @p2 $0xF80;
	s20 =	ssub.s32 @!p1 $0xC8, s20;
	p2 =	sgt.s32 @!p1 s22, $0x7F  }
0x36: {  	s22 =	sshll.u32 @!p1 s10, $0x3;
	s21 =	ssub.s32 @!p1 s21, s23;
	p2 =	por !p2, p1  }
0x37: {  	s19 =	sadd.s32 @!p1 s19, s22;
	s23 =	sadd.s32 @!p1 $0xFFFFF080, s21;
	s20 =	simm.s32 @!p2 $0x0  }
0x38: {  	p2 =	sgt.s32 @!p1 s23, $0x7F;
	s23 =	sshll.u32 @!p1 s11, $0x7;
	s19 =	sshrl.u32 @!p1 s19, $0xC  }
0x39: {  	s17 =	smul.u32 @!p1 s17, s20;
	s20 =	ssub.s32 @!p1 $0x1000, s21;
	p2 =	por !p2, p1  }
0x3a: {  	s21 =	sand.u32 @!p1 $0x380, s23;
	s23 =	smulhi.u32 @!p1 $0x147AE15, s19;
	s20 =	simm.s32 @!p2 $0x0  }
0x3b: {  	s31 =	sadd.s32 $0xFFFFFFFF, s13;
	s18 =	sor.u32 @!p1 s21, s18;
	s17 =	smul.u32 @!p1 s20, s17  }
0x3c: {  	s21 =	sand.u32 @!p1 $0xC00, s22;
	s20 =	sxor.u32 @!p1 $0xFFFFFFFF, s13;
	s22 =	smul.u32 @!p1 $0xC8, s23  }
0x3d: {  	s18 =	sor.u32 @!p1 s21, s18;
	s21 =	smul.u32 @!p1 $0x19000, s12;
	s20 =	sshll.u32 @!p1 s20, $0xE  }
0x3e: {  	s18 =	sshrl.u32 @!p1 s18, $0x3;
	s20 =	sand.u32 @!p1 $0x4000, s20;
	s19 =	ssub.s32 @!p1 s19, s22  }
0x3f: {  	s17 =	sand.u32 @!p1 $0x3FFFFFFF, s17;
	s21 =	sadd.s32 @!p1 s3, s21;
	s22 =	sand.u32 @!p1 $0x7, s10  }
0x40: {  	s19 =	sshll.u32 @!p1 s19, $0x9;
	s18 =	sadd.s32 @!p1 s18, s21;
	s21 =	sshll.u32 @!p1 s22, $0x12  }
0x41: {  	s18 =	sadd.s32 @!p1 s19, s18;
	s19 =	sor.u32 @!p1 $0x400, s21;
	s21 =	simm.s32 @!p1 $0x8000  }
0x42: {  	[tilespmem:s20], [sflag:$0x1] =	stream.strided.gather @!p1 [hbm4b:s18+s19], s17, s21, s19, $0x38;
	[tilespmem:$0x10100] =	vst v63  }
0x43: {  	p1 =	sge.u32 s31, s6  }
.Ltmp2:
0x44: {  	_ = 	snop;
	(pc) =	sbr.rel @p1 .LBB1_5-.Ltmp2, $1  }
0x45: {  	_ =	sdelay $0x3  }
0x46: {  	p1 =	sgt.s32 s15, $0x10;
	s17 =	smov.u32 s15;
	s18 =	sshra.s32 s15, $0x1F  }
0x47: {  	s17 =	simm.s32 @!p1 $0x10;
	s18 =	sand.u32 s18, s15  }
0x48: {  	s17 =	ssub.s32 s17, s18  }
0x49: {  	p2 =	sgt.s32 s14, $0x48;
	s19 =	sshra.s32 s14, $0x1F;
	s18 =	sadd.s32 $0xFFFFFFF0, s17  }
0x4a: {  	s20 =	sshra.s32 s16, $0x1F;
	p1 =	sgt.s32 s18, $0x0;
	s18 =	smov.u32 s14  }
0x4b: {  	s19 =	sand.u32 s19, s14;
	s20 =	sand.u32 s20, s16;
	s18 =	simm.s32 @!p2 $0x48  }
0x4c: {  	p2 =	sgt.s32 s16, $0xF80;
	s18 =	ssub.s32 s18, s19;
	s19 =	smov.u32 s16  }
0x4d: {  	s17 =	ssub.s32 $0x11, s17;
	s21 =	sadd.s32 $0xFFFFFFB8, s18;
	s19 =	simm.s32 @!p2 $0xF80  }
0x4e: {  	s18 =	ssub.s32 $0xC8, s18;
	p2 =	sgt.s32 s21, $0x7F;
	s19 =	ssub.s32 s19, s20  }
0x4f: {  	s17 =	simm.s32 @p1 $0x0;
	s18 =	simm.s32 @p2 $0x0;
	s20 =	sadd.s32 $0xFFFFF080, s19  }
0x50: {  	s17 =	smul.u32 s17, s18;
	p1 =	sgt.s32 s20, $0x7F;
	s18 =	ssub.s32 $0x1000, s19  }
0x51: {  	s18 =	simm.s32 @p1 $0x0  }
0x52: {  	s17 =	smul.u32 s18, s17;
	_ =	sdelay $0x1  }
0x53: {  	s18 =	simm.s32 $0x1;
	s17 =	sand.u32 $0x3FFFFFFF, s17  }
0x54: {  	s18 =	simm.s32 @!p0 $0x0;
	_ =	swait.ge [sflag:s5], s17  }
0x55: {  	s29 =	sshll.u32 s18, $0xE;
	s17 =	ssub.s32 $0x0, s17;
	[sflag:s5] =	ssyncset.done $0x0  }
0x56: {  	s19 =	sor.u32 $0x40, s29;
	[sflag:s5] =	ssyncadd.s32 s17  }
0x57: {  	s30 =	smul.u32 $0x10200, s18;
	v0 =	vld [tilespmem:s19+$0x30]  }
0x58: {  	v3 =	vld [tilespmem:s19+$0xFFFFFFD0]  }
0x59: {  	s17 =	sshrl.u32 s30, $0x2;
	v4 =	vld [tilespmem:s19+$0xFFFFFFE0]  }
0x5a: {  	s18 =	sor.u32 $0x8000, s17;
	v5 =	vld [tilespmem:s19+$0xFFFFFFF0]  }
0x5b: {  	s31 =	sand.u32 $0x1, s13;
	v1 =	vld [tilespmem:s19+$0x0];
	s20 =	sadd.s32 $0x0, s18  }
0x5c: {  	s17 =	smul.u32 $0x10200, s31;
	v2 =	vld [tilespmem:s19+$0x10];
	[tilespmem:s20+$0x3870 ss:$0x81] =	vst.msk $0xffff, v0  }
0x5d: {  	[tilespmem:s20+$0x810 ss:$0x81] =	vst.msk $0xffff, v3;
	v3 =	vld [tilespmem:s19+$0x20]  }
0x5e: {  	s17 =	sshrl.u32 s17, $0x2;
	v0 =	vld [tilespmem:s19+$0xFFFFFFC0];
	[tilespmem:s20+$0x1020 ss:$0x81] =	vst.msk $0xffff, v4;
	s19 =	sadd.s32 $0x80, s19  }
0x5f: {  	s22 =	simm.s32 $0x8;
	s21 =	simm.s32 $0x4;
	s17 =	sor.u32 $0x8000, s17;
	[tilespmem:s20+$0x1830 ss:$0x81] =	vst.msk $0xffff, v5;
	v4 =	vld [tilespmem:s19+$0x30]  }
.LBB1_3:
0x60: {  	p1 =	sne.s32 s22, $0x1FC;
	v5 =	vld [tilespmem:s19+$0xFFFFFFD0];
	[tilespmem:s20+$0x2040 ss:$0x81] =	vst.msk $0xffff, v1  }
0x61: {  	v6 =	vld [tilespmem:s19+$0xFFFFFFE0];
	[tilespmem:s20+$0x2850 ss:$0x81] =	vst.msk $0xffff, v2  }
0x62: {  	s23 =	sshra.s32 s21, $0x2;
	s21 =	smov.u32 s22;
	v7 =	vld [tilespmem:s19+$0xFFFFFFF0];
	[tilespmem:s20+$0x3060 ss:$0x81] =	vst.msk $0xffff, v3  }
.Ltmp3:
0x63: {  	v1 =	vld [tilespmem:s19+$0x0];
	[tilespmem:s20+$0x0 ss:$0x81] =	vst.msk $0xffff, v0;
	s20 =	sadd.s32 s23, s18;
	(pc) =	sbr.rel @p1 .LBB1_3-.Ltmp3, $4  }
0x64: {  	v2 =	vld [tilespmem:s19+$0x10];
	[tilespmem:s20+$0x3870 ss:$0x81] =	vst.msk $0xffff, v4  }
0x65: {  	[tilespmem:s20+$0x810 ss:$0x81] =	vst.msk $0xffff, v5;
	v3 =	vld [tilespmem:s19+$0x20]  }
0x66: {  	v0 =	vld [tilespmem:s19+$0xFFFFFFC0];
	[tilespmem:s20+$0x1020 ss:$0x81] =	vst.msk $0xffff, v6;
	s19 =	sadd.s32 $0x80, s19  }
0x67: {  	s22 =	sadd.s32 $0x4, s22;
	v4 =	vld [tilespmem:s19+$0x30];
	[tilespmem:s20+$0x1830 ss:$0x81] =	vst.msk $0xffff, v7  }
.Ltmp4:
0x68: {  	_ = 	snop;
	(pc) =	sbr.rel .LBB1_4-.Ltmp4, $1  }
0x69: {  	_ =	sdelay $0x3  }
.LBB1_6:
0x6a: {  	_ =	sfence.sel $0x180000  }
0x6b: {  	s2 =	simm.s32 $0x1;
	[bflag:$0x0] =	sbarrier.arrive $0xFFFF  }
0x6c: {  	s31 =	simm.s32 $0x2;
	[sflag:s2] =	ssyncpa.u1 $0x1  }
0x6d: {  	[sflag:s31] =	ssyncpa.u1 $0x1  }
0x6e: {  	p0 =	sne.s32 s0, $0x0;
	_ =	strace $0x90000047  }
0x6f: {  	s0 =	sadd.s32 @!p0 $0x100000, s1;
	[bflag:$0x2] =	sbarrier.arrive $0xFFFF  }
0x70: {  	[sflag:s0] =	ssyncadd.tile.s32 @!p0 $0x1;
	_ =	shalt  }
.Lfunc_end1:
_tile_overlayer_lowered:
.L_overlay_start_2:
0x71: {  	(tag) =	ssettag $0x2  }
0x72: {  	s0 =	rddreg [dreg:$0x0];
	s2 =	stileid.u32  }
0x73: {  	s1 =	rddreg [dreg:$0x1];
	p0 =	sne.s32 s2, $0x0  }
0x74: {  	s3 =	rddreg [dreg:$0x2];
	[bflag:$0x3] =	sbarrier.arrive $0xFFFF;
	s2 =	simm.s32 @!p0 $0x1C01  }
0x75: {  	[timem:s3], [sflag:s2] =	dma.local @!p0 [hbm:s0], s1  }
0x76: {  	s0 =	simm.s32 @!p0 $0x1  }
0x77: {  	_ =	swait.ge @!p0 [sflag:s0], s1  }
0x78: {  	s1 =	ssub.s32 @!p0 $0x0, s1;
	[sflag:s0] =	ssyncset.done @!p0 $0x0  }
0x79: {  	[sflag:s0] =	ssyncadd.s32 @!p0 s1  }
0x7a: {  	[bflag:$0x3] =	sbarrier.arrive $0xFFFF  }
0x7b: {  	_ =	shalt  }

// kernel: sparse-core-data-format-call.cloned.1.call-start
scs
called_computation_lowered:
.L_overlay_start_0:
0x0: {  	s2 =	sld [smem:$0x3FD9]  }
0x1: {  	s3 =	sld [smem:$0x3FFE];
	_ =	sdelay $0x1  }
0x2: {  	s1 =	srdreg.scid  }
0x3: {  	s0 =	sand.u32 $0x1, s1  }
0x4: {  	s18 =	sshll.u32 s0, $0xA;
	s2 =	sadd.s32 s3, s2  }
0x5: {  	s2 =	sadd.s32 s2, s18  }
0x6: {  	[smem:$0x3FC6] =	sst s2  }
0x7: {  	_ = 	snop  }
0x8: {  	s2 =	sld [smem:$0x3FD0];
	(tm) =	ssettm $0x1  }
0x9: {  	s19 =	sld [smem:$0x3FFB];
	_ =	sdelay $0x3  }
0xa: {  	_ =	strace s19  }
0xb: {  	s3 =	sld [smem:$0x3FFC];
	_ =	sdelay $0x3  }
0xc: {  	_ =	strace s3  }
0xd: {  	s3 =	sld [smem:$0x3FFD];
	_ =	sdelay $0x3  }
0xe: {  	_ =	strace s3  }
0xf: {  	_ =	strace $0x8FFFFFFF  }
0x10: {  	s20 =	sld [smem:$0x3FDB];
	_ =	sdelay $0x1  }
0x11: {  	s4 =	simm.s32 $_scs_section_size  }
0x12: {  	s5 =	simm.s32 $_size__tile_overlayer_lowered;
	s6 =	simm.s32 $_tile_overlayer_lowered  }
0x13: {  	s23 =	simm.s32 $0x1BFF;
	s22 =	sshll.u32 s6, $0x1;
	s3 =	sadd.s32 s4, s20  }
0x14: {  	s7 =	simm.s32 $0x0;
	s21 =	sshll.u32 s5, $0x1;
	s5 =	sadd.s32 s22, s3  }
0x15: {  	[timem:s7], [sflag:s23] =	dma.local [hbm:s5], s21  }
0x16: {  	_ =	swait.ge [sflag:s23], s21  }
0x17: {  	s4 =	ssub.s32 $0x0, s21;
	[sflag:s23] =	ssyncset.done $0x0  }
0x18: {  	[sflag:s23] =	ssyncadd.s32 s4;
	_ =	sdelay $0x1  }
0x19: {  	s24 =	simm.s32 $0x1B8B  }
0x1a: {  	_ =	swait.ge [sflag:s24], $0x1  }
0x1b: {  	[sflag:s24] =	ssyncset.done $0x0  }
0x1c: {  	s26 =	simm.s32 $0x1B8E;
	s25 =	sld [smem:$0x3FFE];
	[sflag:s24] =	ssyncadd.s32 $0xFFFFFFFF  }
0x1d: {  	s27 =	simm.s32 $execute0_lowered;
	[smem:$0x3FD2] =	sst s26  }
0x1e: {  	s5 =	sshll.u32 s27, $0x1;
	_ =	strace $0x80000049;
	[dreg:$0x1] =	wrdreg $0xFFFFFFFF  }
0x1f: {  	s28 =	simm.s32 $_size_execute0_lowered;
	s3 =	sadd.s32 s3, s5;
	[dreg:$0x0] =	wrdreg $0x0  }
0x20: {  	s5 =	sshll.u32 s28, $0x1;
	[dreg:$0x2] =	wrdreg s3  }
0x21: {  	[dreg:$0x3] =	wrdreg s5  }
0x22: {  	[dreg:$0x4] =	wrdreg $0xC0  }
0x23: {  	_ =	task [dreg:s7], $0x5FFFF  }
0x24: {  	[dreg:$0x1] =	wrdreg $0xFFFFFFFF  }
0x25: {  	[dreg:$0x0] =	wrdreg $0x60  }
0x26: {  	[dreg:$0x2] =	wrdreg s25  }
0x27: {  	[dreg:$0x3] =	wrdreg s2  }
0x28: {  	[dreg:$0x4] =	wrdreg $0x9  }
0x29: {  	_ =	task.clear_ibuf [dreg:s7], $0x5FFFF;
	_ =	strace $0x90000049  }
0x2a: {  	s29 =	simm.s32 $0x9;
	_ =	strace $0x8000004B  }
0x2b: {  	_ =	swait.ge [sflag:s29], $0x1  }
0x2c: {  	[sflag:s29] =	ssyncadd.s32 $0xFFFFFFFF  }
0x2d: {  	_ =	strace $0x9000004B  }
0x2e: {  	_ =	sfence  }
0x2f: {  	s30 =	sld [smem:$0x0];
	_ =	sdelay $0x2  }
0x30: {  	s31 =	sshll.u32 s1, $0xD;
	s1 =	sshrl.u32 s1, $0x2  }
0x31: {  	s3 =	sand.u32 $0x4000, s31;
	s1 =	sadd.s32 s1, s30  }
0x32: {  	s0 =	sor.u32 s3, s0;
	s1 =	sshll.u32 s1, $0x11  }
0x33: {  	s0 =	sor.u32 s1, s0  }
0x34: {  	s0 =	sadd.s32 $0x8F2B, s0  }
0x35: {  	[sflag:s0] =	ssyncadd.remote.s32 $0x1  }
0x36: {  	_ =	sfence.sel $0xFFFF  }
0x37: {  	[dreg:$0x0] =	wrdreg $0xFFFFFFFF;
	(pc) =	sbr.abs _section_cstart, $3  }
0x38: {  	[dreg:$0x1] =	wrdreg $0xFFFFFFFF  }
0x39: {  	_ =	task.clear_ibuf [dreg:s7], $0x2FFFF;
	_ =	strace $0x9FFFFFFF  }
0x3a: {  	(tm) =	ssettm $0x7FFFFFFF  }
0x3b: {  	_ =	shalt  }
tec
execute0_lowered:
.L_overlay_start_1:
0x0: {  	(tag) =	ssettag $0x1  }
0x1: {  	s0 =	srdreg.scid;
	s6 =	rddreg [dreg:$0x0]  }
0x2: {  	s3 =	rddreg [dreg:$0x1];
	s1 =	sshll.u32 s0, $0x4  }
0x3: {  	s5 =	simm.s32 $0x1;
	s0 =	stileid.u32;
	s1 =	sand.u32 $0x10, s1  }
0x4: {  	s31 =	simm.s32 $0x2;
	s16 =	simm.s32 $0x0;
	s1 =	sor.u32 s0, s1  }
0x5: {  	s8 =	simm.s32 $0x8000;
	s17 =	simm.s32 $0x0;
	s2 =	sshll.u32 s1, $0x7  }
0x6: {  	s18 =	simm.s32 $0x0;
	s9 =	simm.s32 $0x0;
	s4 =	ssub.s32 $0x1000, s2  }
0x7: {  	s10 =	simm.s32 $0x0;
	s11 =	simm.s32 $0x0;
	s30 =	sand.u32 $0xF80, s4  }
0x8: {  	s12 =	simm.s32 $0x0;
	s14 =	simm.s32 $0x0;
	p0 =	sne.s32 s30, $0x0  }
.Ltmp0:
0x9: {  	s7 =	sshrl.u32 s4, $0xC;
	s5 =	simm.s32 @!p0 $0x0;
	(pc) =	sbr.rel .LBB1_1-.Ltmp0, $4  }
0xa: {  	s15 =	simm.s32 $0x0;
	s1 =	rddreg [dreg:$0x2];
	s5 =	sadd.s32 s5, s7  }
0xb: {  	_ =	strace $0x8000004A;
	s4 =	simm.s32 $0x1;
	s5 =	smul.u32 $0x22, s5  }
0xc: {  	s6 =	sadd.s32 $0x1A9E00, s6;
	s13 =	smov.u32 s2;
	[sflag:s4] =	ssyncpa.u1 $0x0  }
0xd: {  	[sflag:s31] =	ssyncpa.u1 $0x0;
	p0 =	por $0x0, $0x0;
	s7 =	sor.u32 $0x1, s5  }
.LBB1_4:
0xe: {  	s23 =	sshra.s32 s23, $0x2;
	s30 =	sshll.u32 s9, $0xC  }
0xf: {  	p1 =	sgt.s32 s11, $0x10;
	s24 =	smov.u32 s11;
	s25 =	sshra.s32 s11, $0x1F  }
0x10: {  	s26 =	sshll.u32 s10, $0x3;
	s28 =	smov.u32 s10;
	s29 =	sshra.s32 s10, $0x1F  }
0x11: {  	s22 =	sadd.s32 s23, s22;
	s24 =	simm.s32 @!p1 $0x10;
	s25 =	sand.u32 s25, s11  }
0x12: {  	s23 =	sand.u32 $0xFFFF8000, s30;
	s27 =	sand.u32 $0xFFFFFC00, s26;
	p1 =	sgt.s32 s9, $0x48  }
0x13: {  	s31 =	sand.u32 s29, s10;
	s29 =	sshll.u32 s9, $0x7;
	s30 =	sshra.s32 s9, $0x1F  }
0x14: {  	[tilespmem:s21+$0x2040 ss:$0x81] =	vst.msk $0xffff, v4;
	s24 =	ssub.s32 s24, s25;
	s23 =	sadd.s32 s27, s23;
	s27 =	smov.u32 s9  }
0x15: {  	[tilespmem:s21+$0x2850 ss:$0x81] =	vst.msk $0xffff, v3;
	s29 =	sand.u32 $0x380, s29;
	s25 =	sadd.s32 $0xFFFFFFF0, s24;
	s27 =	simm.s32 @!p1 $0x48  }
0x16: {  	v5 =	vld [tilespmem:s20+$0xFFFFFFD0];
	[tilespmem:s21+$0x3060 ss:$0x81] =	vst.msk $0xffff, v2;
	p1 =	sgt.s32 s10, $0xF80;
	s23 =	sshrl.u32 s23, $0xC;
	s24 =	ssub.s32 $0x11, s24  }
0x17: {  	v58 =	vld [tilespmem:s20+$0xFFFFFFE0];
	[tilespmem:s21+$0x0 ss:$0x81] =	vst.msk $0xffff, v1;
	s28 =	simm.s32 @!p1 $0xF80;
	p1 =	sgt.s32 s25, $0x0;
	s21 =	smulhi.u32 $0x147AE15, s23  }
0x18: {  	v59 =	vld [tilespmem:s20+$0xFFFFFFF0];
	s25 =	ssub.s32 s28, s31;
	s28 =	sand.u32 s30, s9;
	s24 =	simm.s32 @p1 $0x0  }
0x19: {  	v60 =	vld [tilespmem:s20+$0x0];
	s27 =	ssub.s32 s27, s28;
	s31 =	sadd.s32 $0xFFFFF080, s25;
	s25 =	ssub.s32 $0x1000, s25  }
0x1a: {  	v61 =	vld [tilespmem:s20+$0x10];
	[tilespmem:s22+$0x3870 ss:$0x81] =	vst.msk $0xffff, v0;
	s21 =	smul.u32 $0xC8, s21;
	s28 =	sand.u32 $0x7, s10;
	p1 =	sgt.s32 s31, $0x7F  }
0x1b: {  	v62 =	vld [tilespmem:s20+$0x20];
	[tilespmem:s22+$0x810 ss:$0x81] =	vst.msk $0xffff, v5;
	s30 =	sadd.s32 $0xFFFFFFB8, s27;
	s31 =	sand.u32 $0x78, s10;
	s25 =	simm.s32 @p1 $0x0  }
0x1c: {  	v63 =	vld [tilespmem:s20+$0xFFFFFFC0];
	[tilespmem:s22+$0x1020 ss:$0x81] =	vst.msk $0xffff, v58;
	p1 =	sgt.s32 s30, $0x7F;
	s30 =	sand.u32 $0xC00, s26;
	s24 =	smul.u32 s24, s25  }
0x1d: {  	[tilespmem:s22+$0x1830 ss:$0x81] =	vst.msk $0xffff, v59;
	s26 =	ssub.s32 $0xC8, s27;
	s20 =	sor.u32 s31, s30;
	s31 =	smul.u32 $0x19000, s11  }
0x1e: {  	[tilespmem:s22+$0x2040 ss:$0x81] =	vst.msk $0xffff, v60;
	s21 =	ssub.s32 s23, s21;
	s26 =	simm.s32 @p1 $0x0;
	s20 =	sor.u32 s29, s20  }
0x1f: {  	[tilespmem:s22+$0x2850 ss:$0x81] =	vst.msk $0xffff, v61;
	s26 =	smul.u32 s26, s24;
	s20 =	sshrl.u32 s20, $0x3;
	s27 =	sadd.s32 s3, s31  }
0x20: {  	[tilespmem:s22+$0x3060 ss:$0x81] =	vst.msk $0xffff, v62;
	s21 =	sshll.u32 s21, $0x9;
	s29 =	sshll.u32 s28, $0x12;
	s20 =	sadd.s32 s20, s27  }
0x21: {  	[tilespmem:s22+$0x0 ss:$0x81] =	vst.msk $0xffff, v63;
	s31 =	sor.u32 $0x400, s29;
	s30 =	sand.u32 $0x3FFFFFFF, s26;
	s20 =	sadd.s32 s21, s20  }
0x22: {  	[hbm4b:s20+s31] =	stream.strided.scatter [tilespmem:s19], [sflag:$0x2], s30, s8, s31, $0x20;
	[tilespmem:$0x10100] =	vst v63  }
.LBB1_5:
0x23: {  	p1 =	slt.u32 s15, $0x2  }
0x24: {  	s19 =	smov.u32 s18;
	p2 =	sgt.s32 @!p1 s18, $0x10  }
0x25: {  	s20 =	sshra.s32 @!p1 s18, $0x1F;
	p3 =	sgt.s32 @!p1 s16, $0x48;
	p4 =	sgt.s32 @!p1 s17, $0xF80  }
0x26: {  	s21 =	sshra.s32 @!p1 s17, $0x1F;
	p2 =	por !p2, p1;
	s18 =	sand.u32 @!p1 s20, s18  }
0x27: {  	p4 =	por !p4, p1;
	s20 =	smov.u32 s17;
	s19 =	simm.s32 @p2 $0x10  }
0x28: {  	s17 =	sand.u32 @!p1 s21, s17;
	s20 =	simm.s32 @p4 $0xF80;
	s18 =	ssub.s32 @!p1 s19, s18  }
0x29: {  	p3 =	por !p3, p1;
	s17 =	ssub.s32 @!p1 s20, s17;
	s19 =	sadd.s32 @!p1 $0xFFFFFFF0, s18  }
0x2a: {  	s20 =	sshra.s32 @!p1 s16, $0x1F;
	s18 =	ssub.s32 @!p1 $0x11, s18;
	p2 =	sgt.s32 @!p1 s19, $0x0  }
0x2b: {  	s19 =	smov.u32 s16;
	s16 =	sand.u32 @!p1 s20, s16;
	s20 =	sadd.s32 @!p1 $0xFFFFF080, s17  }
0x2c: {  	s17 =	ssub.s32 @!p1 $0x1000, s17;
	s19 =	simm.s32 @p3 $0x48;
	p2 =	por !p2, p1  }
0x2d: {  	s18 =	simm.s32 @!p2 $0x0;
	s16 =	ssub.s32 @!p1 s19, s16;
	p2 =	sgt.s32 @!p1 s20, $0x7F  }
0x2e: {  	s20 =	smov.u32 s13;
	s19 =	sadd.s32 @!p1 $0xFFFFFFB8, s16;
	p2 =	por !p2, p1  }
0x2f: {  	s16 =	ssub.s32 @!p1 $0xC8, s16;
	s17 =	simm.s32 @!p2 $0x0;
	p2 =	sgt.s32 @!p1 s19, $0x7F  }
0x30: {  	s19 =	sadd.s32 $0x80, s12;
	p2 =	por !p2, p1;
	s17 =	smul.u32 @!p1 s18, s17  }
0x31: {  	s18 =	sadd.s32 $0x1000, s13;
	s16 =	simm.s32 @!p2 $0x0;
	p2 =	sgt.s32 s19, $0xC7  }
0x32: {  	s16 =	smul.u32 @!p1 s16, s17;
	s20 =	smov.u32 @p2 s18  }
0x33: {  	s19 =	simm.s32 @p2 $0x0;
	s17 =	simm.s32 $0x1;
	p2 =	sgt.s32 s20, $0xFFF  }
0x34: {  	s17 =	simm.s32 @!p2 $0x0  }
0x35: {  	p0 =	por !p0, !p0;
	s23 =	sadd.s32 s17, s14  }
0x36: {  	s21 =	simm.s32 @!p1 $0x2;
	s20 =	smov.u32 @p2 s2;
	p2 =	sgt.s32 s23, $0x10  }
0x37: {  	s18 =	smov.u32 s11;
	s23 =	simm.s32 @p2 $0x0;
	p2 =	sne.s32 s15, s7  }
.Ltmp1:
0x38: {  	s11 =	smov.u32 s14;
	s16 =	sand.u32 @!p1 $0x3FFFFFFF, s16;
	(pc) =	sbr.rel @!p2 .LBB1_6-.Ltmp1, $4  }
0x39: {  	_ =	swait.ge @!p1 [sflag:s21], s16;
	s22 =	ssub.s32 @!p1 $0x0, s16;
	s16 =	smov.u32 s9  }
0x3a: {  	s17 =	smov.u32 s10;
	s9 =	smov.u32 s12;
	s10 =	smov.u32 s13  }
0x3b: {  	s12 =	smov.u32 s19;
	s13 =	smov.u32 s20;
	[sflag:s21] =	ssyncset.done @!p1 $0x0  }
0x3c: {  	s15 =	sadd.s32 $0x1, s15;
	[sflag:s21] =	ssyncadd.s32 @!p1 s22;
	s14 =	smov.u32 s23  }
.LBB1_1:
0x3d: {  	p1 =	sge.u32 s15, s5  }
0x3e: {  	s31 =	sadd.s32 $0xFFFFFFFF, s15;
	s19 =	sxor.u32 @!p1 $0xFFFFFFFF, s15  }
0x3f: {  	s20 =	sshll.u32 @!p1 s13, $0x8;
	s21 =	sshll.u32 @!p1 s12, $0x3;
	s22 =	sshll.u32 @!p1 s13, $0x7  }
0x40: {  	s23 =	sand.u32 @!p1 $0x78, s12;
	s20 =	sand.u32 @!p1 $0xFF800, s20;
	s21 =	sand.u32 @!p1 $0xFFC00, s21  }
0x41: {  	s19 =	sshll.u32 @!p1 s19, $0xE;
	s20 =	sadd.s32 @!p1 s20, s21;
	s21 =	sand.u32 @!p1 $0x300, s22  }
0x42: {  	s19 =	sand.u32 @!p1 $0x4000, s19;
	s20 =	sor.u32 @!p1 s21, s20;
	s21 =	sand.u32 @!p1 $0x80, s22  }
0x43: {  	s22 =	sshll.u32 @!p1 s14, $0x11;
	s21 =	sor.u32 @!p1 s23, s21;
	s20 =	sshrl.u32 @!p1 s20, $0x3  }
0x44: {  	s22 =	sadd.s32 @!p1 s6, s22;
	s23 =	sand.u32 @!p1 $0x7, s12;
	s21 =	sshrl.u32 @!p1 s21, $0x3  }
0x45: {  	s20 =	sand.u32 @!p1 $0x1FFE0, s20;
	s21 =	sadd.s32 @!p1 s21, s22;
	s22 =	sshll.u32 @!p1 s23, $0x12  }
0x46: {  	s20 =	sadd.s32 @!p1 s20, s21;
	s21 =	sor.u32 @!p1 $0x400, s22;
	s22 =	simm.s32 @!p1 $0x800  }
0x47: {  	[tilespmem:s19], [sflag:$0x1] =	stream.strided.gather @!p1 [hbm4b:s20+s21], $0x4000, s22, s21, $0x38;
	[tilespmem:$0x10100] =	vst v63  }
0x48: {  	p1 =	sge.u32 s31, s5  }
.Ltmp2:
0x49: {  	_ = 	snop;
	(pc) =	sbr.rel @p1 .LBB1_5-.Ltmp2, $1  }
0x4a: {  	_ =	sdelay $0x3  }
0x4b: {  	s19 =	simm.s32 $0x1  }
0x4c: {  	_ =	swait.ge [sflag:s4], $0x4000;
	s19 =	simm.s32 @!p0 $0x0  }
0x4d: {  	[sflag:s4] =	ssyncset.done $0x0;
	s20 =	sshll.u32 s19, $0xE  }
0x4e: {  	[sflag:s4] =	ssyncadd.s32 $0xFFFFC000;
	s20 =	sor.u32 $0x40, s20  }
0x4f: {  	s19 =	smul.u32 $0x10200, s19;
	v0 =	vld [tilespmem:s20+$0x30]  }
0x50: {  	v1 =	vld [tilespmem:s20+$0xFFFFFFD0]  }
0x51: {  	s19 =	sshrl.u32 s19, $0x2;
	v5 =	vld [tilespmem:s20+$0xFFFFFFE0]  }
0x52: {  	v6 =	vld [tilespmem:s20+$0xFFFFFFF0];
	s22 =	sor.u32 $0x8000, s19  }
0x53: {  	s31 =	sand.u32 $0x1, s15;
	v4 =	vld [tilespmem:s20+$0x0];
	s21 =	sadd.s32 $0x0, s22  }
0x54: {  	v3 =	vld [tilespmem:s20+$0x10];
	s19 =	smul.u32 $0x10200, s31;
	[tilespmem:s21+$0x3870 ss:$0x81] =	vst.msk $0xffff, v0  }
0x55: {  	v2 =	vld [tilespmem:s20+$0x20];
	[tilespmem:s21+$0x810 ss:$0x81] =	vst.msk $0xffff, v1  }
0x56: {  	s19 =	sshrl.u32 s19, $0x2;
	v1 =	vld [tilespmem:s20+$0xFFFFFFC0];
	[tilespmem:s21+$0x1020 ss:$0x81] =	vst.msk $0xffff, v5;
	s20 =	sadd.s32 $0x80, s20  }
0x57: {  	s23 =	simm.s32 $0x4;
	s24 =	simm.s32 $0x8;
	s19 =	sor.u32 $0x8000, s19;
	[tilespmem:s21+$0x1830 ss:$0x81] =	vst.msk $0xffff, v6;
	v0 =	vld [tilespmem:s20+$0x30]  }
.LBB1_3:
0x58: {  	p1 =	sne.s32 s24, $0x1FC;
	v5 =	vld [tilespmem:s20+$0xFFFFFFD0];
	[tilespmem:s21+$0x2040 ss:$0x81] =	vst.msk $0xffff, v4  }
0x59: {  	v6 =	vld [tilespmem:s20+$0xFFFFFFE0];
	[tilespmem:s21+$0x2850 ss:$0x81] =	vst.msk $0xffff, v3  }
0x5a: {  	s25 =	sshra.s32 s23, $0x2;
	s23 =	smov.u32 s24;
	v7 =	vld [tilespmem:s20+$0xFFFFFFF0];
	[tilespmem:s21+$0x3060 ss:$0x81] =	vst.msk $0xffff, v2  }
.Ltmp3:
0x5b: {  	v4 =	vld [tilespmem:s20+$0x0];
	[tilespmem:s21+$0x0 ss:$0x81] =	vst.msk $0xffff, v1;
	s21 =	sadd.s32 s25, s22;
	(pc) =	sbr.rel @p1 .LBB1_3-.Ltmp3, $4  }
0x5c: {  	v3 =	vld [tilespmem:s20+$0x10];
	[tilespmem:s21+$0x3870 ss:$0x81] =	vst.msk $0xffff, v0  }
0x5d: {  	[tilespmem:s21+$0x810 ss:$0x81] =	vst.msk $0xffff, v5;
	v2 =	vld [tilespmem:s20+$0x20]  }
0x5e: {  	v1 =	vld [tilespmem:s20+$0xFFFFFFC0];
	[tilespmem:s21+$0x1020 ss:$0x81] =	vst.msk $0xffff, v6;
	s20 =	sadd.s32 $0x80, s20  }
0x5f: {  	s24 =	sadd.s32 $0x4, s24;
	v0 =	vld [tilespmem:s20+$0x30];
	[tilespmem:s21+$0x1830 ss:$0x81] =	vst.msk $0xffff, v7  }
.Ltmp4:
0x60: {  	_ = 	snop;
	(pc) =	sbr.rel .LBB1_4-.Ltmp4, $1  }
0x61: {  	_ =	sdelay $0x3  }
.LBB1_6:
0x62: {  	_ =	sfence.sel $0x180000  }
0x63: {  	s2 =	simm.s32 $0x1;
	[bflag:$0x0] =	sbarrier.arrive $0xFFFF  }
0x64: {  	s31 =	simm.s32 $0x2;
	[sflag:s2] =	ssyncpa.u1 $0x1  }
0x65: {  	[sflag:s31] =	ssyncpa.u1 $0x1  }
0x66: {  	p0 =	sne.s32 s0, $0x0;
	_ =	strace $0x9000004A  }
0x67: {  	s0 =	sadd.s32 @!p0 $0x100000, s1;
	[bflag:$0x2] =	sbarrier.arrive $0xFFFF  }
0x68: {  	[sflag:s0] =	ssyncadd.tile.s32 @!p0 $0x1;
	_ =	shalt  }
.Lfunc_end1:
_tile_overlayer_lowered:
.L_overlay_start_2:
0x69: {  	(tag) =	ssettag $0x2  }
0x6a: {  	s0 =	rddreg [dreg:$0x0];
	s2 =	stileid.u32  }
0x6b: {  	s1 =	rddreg [dreg:$0x1];
	p0 =	sne.s32 s2, $0x0  }
0x6c: {  	s3 =	rddreg [dreg:$0x2];
	[bflag:$0x3] =	sbarrier.arrive $0xFFFF;
	s2 =	simm.s32 @!p0 $0x1C01  }
0x6d: {  	[timem:s3], [sflag:s2] =	dma.local @!p0 [hbm:s0], s1  }
0x6e: {  	s0 =	simm.s32 @!p0 $0x1  }
0x6f: {  	_ =	swait.ge @!p0 [sflag:s0], s1  }
0x70: {  	s1 =	ssub.s32 @!p0 $0x0, s1;
	[sflag:s0] =	ssyncset.done @!p0 $0x0  }
0x71: {  	[sflag:s0] =	ssyncadd.s32 @!p0 s1  }
0x72: {  	[bflag:$0x3] =	sbarrier.arrive $0xFFFF  }
0x73: {  	_ =	shalt  }

</sc_bundles>
